<compile_context>
chip_gen: v7x
topology: tpu7x:2x2x1
jax: 0.10.2.dev20260603
libtpu: 0.0.44.dev20260713+nightly
codegen_flags: <defaults>
</compile_context>

<pallas_src>
import functools

import jax
import jax.numpy as jnp
from jax import lax
from jax.experimental import pallas as pl
from jax.experimental.pallas import tpu as pltpu
from jax.experimental.pallas import tpu_sc as plsc

H = 512
W = 512
B = 8
N = 4096
HW = H * W

NC = 2
NS = 16
NW = NC * NS
SPW = (B * N) // NW
CHUNKS = SPW // 16
WPB = NW // B
QS = SPW // 4

_MESH = plsc.VectorSubcoreMesh(core_axis_name="c", subcore_axis_name="s")

_SCRATCH = [
    pltpu.VMEM((SPW * 3,), jnp.int32),
    pltpu.VMEM((SPW * 3,), jnp.float32),
    pltpu.VMEM((QS, 3), jnp.float32),
    pltpu.VMEM((QS, 3), jnp.float32),
    pltpu.SemaphoreType.DMA,
    pltpu.SemaphoreType.DMA,
    pltpu.SemaphoreType.DMA,
]

_PARAMS = pltpu.CompilerParams(needs_layout_passes=False)


def _gather_quarter(table_hbm, fidx_v, gat_v, gsem, q):
    return [
        pltpu.async_copy(
            table_hbm.at[fidx_v.at[pl.ds(c * SPW + q * QS, QS)]],
            gat_v.at[pl.ds(c * SPW + q * QS, QS)], gsem)
        for c in range(3)
    ]


def _pipeline(out_ref, gat_v, stages, wsems, b, n0, gathers):
    iota = lax.iota(jnp.int32, 16)

    def fill_quarter(q, stage):
        def body(k, carry):
            rows = k * 16 + iota
            for c in range(3):
                vals = gat_v[pl.ds(c * SPW + q * QS + k * 16, 16)]
                plsc.store_scatter(
                    stage, [rows, jnp.full((16,), c, jnp.int32)], vals)
            return carry
        lax.fori_loop(0, QS // 16, body, 0)

    writes = [None, None]
    for q in range(4):
        if writes[q % 2] is not None:
            writes[q % 2].wait()
        for cp in gathers[q]:
            cp.wait()
        fill_quarter(q, stages[q % 2])
        writes[q % 2] = pltpu.async_copy(
            stages[q % 2], out_ref.at[b, pl.ds(n0 + q * QS, QS)],
            wsems[q % 2])
    writes[0].wait()
    writes[1].wait()


@functools.partial(
    pl.kernel,
    mesh=_MESH,
    out_type=[
        jax.ShapeDtypeStruct((B, N, 3), jnp.float32),
        jax.ShapeDtypeStruct((B * N * 3,), jnp.int32),
    ],
    scratch_types=[pltpu.VMEM((SPW,), jnp.int32), *_SCRATCH,
                   pltpu.SemaphoreType.DMA],
    compiler_params=_PARAMS,
)
def _sample_dirs(idx_hbm, table_hbm, out_ref, fidx_out,
                 idx_v, fidx_v, gat_v, stage0, stage1, gsem, wsem0, wsem1,
                 fsem):
    wid = lax.axis_index("s") * NC + lax.axis_index("c")
    b = wid // WPB
    n0 = (wid % WPB) * SPW
    pltpu.sync_copy(idx_hbm.at[pl.ds(wid * SPW, SPW)], idx_v)

    def build(lo, hi):
        def body(j, carry):
            p0 = j * 16
            v = idx_v[pl.ds(p0, 16)]
            y = v >> 9
            x = v & 511
            toff = (((y >> 3) << 12) + ((x >> 7) << 10)
                    + ((y & 7) << 7) + (x & 127))
            for c in range(3):
                fidx_v[pl.ds(c * SPW + p0, 16)] = toff + ((b * 3 + c) * HW)
            return carry
        lax.fori_loop(lo, hi, body, 0)

    gathers = []
    for q in range(4):
        build(q * (CHUNKS // 4), (q + 1) * (CHUNKS // 4))
        gathers.append(_gather_quarter(table_hbm, fidx_v, gat_v, gsem, q))
    fcp = pltpu.async_copy(fidx_v, fidx_out.at[pl.ds(wid * SPW * 3, SPW * 3)],
                           fsem)
    _pipeline(out_ref, gat_v, (stage0, stage1), (wsem0, wsem1), b, n0,
              gathers)
    fcp.wait()


@functools.partial(
    pl.kernel,
    mesh=_MESH,
    out_type=jax.ShapeDtypeStruct((B, N, 3), jnp.float32),
    scratch_types=_SCRATCH,
    compiler_params=_PARAMS,
)
def _sample_origins(fidx_hbm, table_hbm, out_ref,
                    fidx_v, gat_v, stage0, stage1, gsem, wsem0, wsem1):
    wid = lax.axis_index("s") * NC + lax.axis_index("c")
    b = wid // WPB
    n0 = (wid % WPB) * SPW
    pltpu.sync_copy(fidx_hbm.at[pl.ds(wid * SPW * 3, SPW * 3)], fidx_v)
    gathers = [_gather_quarter(table_hbm, fidx_v, gat_v, gsem, q)
               for q in range(4)]
    _pipeline(out_ref, gat_v, (stage0, stage1), (wsem0, wsem1), b, n0,
              gathers)


def kernel(n_sample, rays_directions, rays_origins):
    indices = jax.random.randint(jax.random.key(42), (B, N), 0, HW)
    idx_flat = indices.reshape(-1).astype(jnp.int32)

    def tiled_flat(a):
        return (a.reshape(B, 3, H // 8, 8, W // 128, 128)
                 .transpose(0, 1, 2, 4, 3, 5)
                 .reshape(-1))

    sampled_dirs, fidx = _sample_dirs(idx_flat, tiled_flat(rays_directions))
    sampled_origins = _sample_origins(fidx, tiled_flat(rays_origins))

    sample_coordinates = jnp.stack((indices >> 9, indices & 511), axis=-1)
    sample_coordinates = sample_coordinates.astype(jnp.int32)

    indices = indices + (jnp.asarray(n_sample, dtype=indices.dtype) * 0)
    return indices, sample_coordinates, sampled_dirs, sampled_origins

# --- scband reference (transcript-rebuilt; emitter-appended) ---
"""Pipeline reference for scband-random-pixel-sampler-60404420051259 (READ-ONLY COPY).

The authoritative reference and input builder live on the scoring server;
editing this copy changes nothing except your own understanding.
"""

import jax, jax.numpy as jnp
import numpy as np

H = 512
W = 512

N_SAMPLE = 4096

def setup_inputs(seed: int = 0) -> dict:
    key = jax.random.key(seed)
    k1, k2 = jax.random.split(key)
    rays_directions = jax.random.normal(k1, (8, 3, H, W), dtype=jnp.float32)
    rays_origins = jax.random.normal(k2, (8, 3, H, W), dtype=jnp.float32)
    return {"n_sample": 4096, "rays_directions": rays_directions, "rays_origins": rays_origins}

def reference(n_sample, rays_directions, rays_origins):
    # precomputed pixel coordinate table, as in __init__
    coords = jnp.stack(jnp.meshgrid(jnp.arange(H, dtype=jnp.float32), jnp.arange(W, dtype=jnp.float32), indexing='ij'), -1)
    coords = jnp.reshape(coords, (-1, 2))
    batch_size = rays_directions.shape[0]
    # torch.randint inside forward -> deterministic jax PRNG stand-in
    idx_key = jax.random.key(42)
    indices = jax.random.randint(idx_key, (batch_size, N_SAMPLE), 0, coords.shape[0])
    indices = indices + (jnp.asarray(n_sample, dtype=indices.dtype) * 0)
    sample_coordinates = coords[indices].astype(jnp.int32)  # [B, N, 2]
    ys = sample_coordinates[..., 0]
    xs = sample_coordinates[..., 1]
    b_idx = jnp.arange(batch_size)[:, None]
    sampled_dirs = rays_directions[b_idx, :, ys, xs]   # [B, N, 3]
    sampled_origins = rays_origins[b_idx, :, ys, xs]   # [B, N, 3]
    return indices, sample_coordinates, sampled_dirs, sampled_origins

if __name__ == "__main__":
    import jax
    _d = setup_inputs()
    print(jax.jit(kernel)(*tuple(_d.values())))

</pallas_src>

<mosaic_0001>
#map = affine_map<(d0, d1) -> (0)>
#map1 = affine_map<(d0, d1) -> (0, 0, 0)>
module attributes {stable_mosaic.version = 14 : i64} {
  func.func @_sample_dirs(%arg0: i32, %arg1: i32, %arg2: memref<32768xi32, #tpu.memory_space<hbm>>, %arg3: memref<6291456xf32, #tpu.memory_space<hbm>>, %arg4: memref<8x4096x3xf32, #tpu.memory_space<hbm>>, %arg5: memref<98304xi32, #tpu.memory_space<hbm>>, %arg6: memref<1024xi32, #tpu.memory_space<vmem>>, %arg7: memref<3072xi32, #tpu.memory_space<vmem>>, %arg8: memref<3072xf32, #tpu.memory_space<vmem>>, %arg9: memref<256x3xf32, #tpu.memory_space<vmem>>, %arg10: memref<256x3xf32, #tpu.memory_space<vmem>>, %arg11: memref<!tpu.dma_semaphore, #tpu.memory_space<semaphore_mem>>, %arg12: memref<!tpu.dma_semaphore, #tpu.memory_space<semaphore_mem>>, %arg13: memref<!tpu.dma_semaphore, #tpu.memory_space<semaphore_mem>>, %arg14: memref<!tpu.dma_semaphore, #tpu.memory_space<semaphore_mem>>) attributes {dimension_semantics = [#tpu.dimension_semantics<core_parallel>, #tpu.dimension_semantics<subcore_parallel>], iteration_bounds = array<i64: 2, 16>, scalar_prefetch = 0 : i64, scratch_operands = 9 : i64, tpu.core_type = #tpu.core_type<sc_vector_subcore>, window_params = [{transform_indices = #map}, {transform_indices = #map}, {transform_indices = #map1}, {transform_indices = #map}]} {
    %mul3A = arith.constant 2 : i32
    %mul3A_0 = arith.muli %arg1, %mul3A : i32
    %add3A = arith.addi %mul3A_0, %arg0 : i32
    %jit3A = arith.constant 4 : i32
    %div3A = arith.divsi %add3A, %jit3A : i32
    %sign3A = arith.constant 0 : i32
    %sign3A_1 = arith.cmpi sgt, %add3A, %sign3A : i32
    %sign3A_2 = arith.extui %sign3A_1 : i1 to i32
    %sign3A_3 = arith.constant 0 : i32
    %sign3A_4 = arith.cmpi slt, %add3A, %sign3A_3 : i32
    %sign3A_5 = arith.extui %sign3A_4 : i1 to i32
    %sign3A_6 = arith.subi %sign3A_2, %sign3A_5 : i32
    %sign3A_7 = arith.constant 0 : i32
    %sign3A_8 = arith.cmpi sgt, %jit3A, %sign3A_7 : i32
    %sign3A_9 = arith.extui %sign3A_8 : i1 to i32
    %sign3A_10 = arith.constant 0 : i32
    %sign3A_11 = arith.cmpi slt, %jit3A, %sign3A_10 : i32
    %sign3A_12 = arith.extui %sign3A_11 : i1 to i32
    %sign3A_13 = arith.subi %sign3A_9, %sign3A_12 : i32
    %ne3A = arith.cmpi ne, %sign3A_6, %sign3A_13 : i32
    %rem3A = arith.remsi %add3A, %jit3A : i32
    %ne3A_14 = arith.constant 0 : i32
    %ne3A_15 = arith.cmpi ne, %rem3A, %ne3A_14 : i32
    %and3A = arith.andi %ne3A, %ne3A_15 : i1
    %sub3A = arith.constant 1 : i32
    %sub3A_16 = arith.subi %div3A, %sub3A : i32
    %select_n3A = arith.select %and3A, %sub3A_16, %div3A : i32
    %jit3A_17 = arith.constant 4 : i32
    %eq3A = arith.constant 0 : i32
    %eq3A_18 = arith.cmpi eq, %jit3A_17, %eq3A : i32
    %jit3A_19 = arith.constant 1 : i32
    %select_n3A_20 = arith.select %eq3A_18, %jit3A_19, %jit3A_17 : i32
    %rem3A_21 = arith.remsi %add3A, %select_n3A_20 : i32
    %ne3A_22 = arith.constant 0 : i32
    %ne3A_23 = arith.cmpi ne, %rem3A_21, %ne3A_22 : i32
    %lt3A = arith.constant 0 : i32
    %lt3A_24 = arith.cmpi slt, %rem3A_21, %lt3A : i32
    %lt3A_25 = arith.constant 0 : i32
    %lt3A_26 = arith.cmpi slt, %select_n3A_20, %lt3A_25 : i32
    %ne3A_27 = arith.xori %lt3A_24, %lt3A_26 : i1
    %and3A_28 = arith.andi %ne3A_27, %ne3A_23 : i1
    %add3A_29 = arith.addi %rem3A_21, %select_n3A_20 : i32
    %select_n3A_30 = arith.select %and3A_28, %add3A_29, %rem3A_21 : i32
    %mul3A_31 = arith.constant 1024 : i32
    %mul3A_32 = arith.muli %select_n3A_30, %mul3A_31 : i32
    %mul3A_33 = arith.constant 1024 : i32
    %mul3A_34 = arith.muli %add3A, %mul3A_33 : i32
    "tpu.region"() ({
      %run_scoped3A = tpu.sem_alloc : memref<!tpu.dma_semaphore, #tpu.memory_space<semaphore_mem>>
      %dma_start3A_288 = tpu.memref_slice %arg2[%mul3A_34] : memref<32768xi32, #tpu.memory_space<hbm>> -> memref<1024xi32, #tpu.memory_space<hbm>>
      %dma_start3A_289 = tpu.memref_slice %arg2[%mul3A_34] : memref<32768xi32, #tpu.memory_space<hbm>> -> memref<1024xi32, #tpu.memory_space<hbm>>
      tpu.enqueue_dma source(%dma_start3A_289 : memref<1024xi32, #tpu.memory_space<hbm>>) target(%arg6 : memref<1024xi32, #tpu.memory_space<vmem>>) target_semaphore(%run_scoped3A : memref<!tpu.dma_semaphore, #tpu.memory_space<semaphore_mem>>)
      %dma_wait3A_290 = tpu.memref_slice %arg2[%mul3A_34] : memref<32768xi32, #tpu.memory_space<hbm>> -> memref<1024xi32, #tpu.memory_space<hbm>>
      %dma_wait3A_291 = tpu.memref_slice %arg2[%mul3A_34] : memref<32768xi32, #tpu.memory_space<hbm>> -> memref<1024xi32, #tpu.memory_space<hbm>>
      tpu.wait_dma2 semaphore(%run_scoped3A : memref<!tpu.dma_semaphore, #tpu.memory_space<semaphore_mem>>) src(%dma_wait3A_291 : memref<1024xi32, #tpu.memory_space<hbm>>) dst(%arg6 : memref<1024xi32, #tpu.memory_space<vmem>>)
      tpu.yield
    }) : () -> ()
    %scan3A = arith.constant 0 : i32
    %scan3A_35 = arith.constant 0 : i32
    %scan3A_36 = arith.constant 16 : i32
    %scan3A_37 = arith.addi %scan3A_35, %scan3A_36 : i32
    %scan3A_38 = arith.constant 1 : i32
    scf.for %scan3A_288 = %scan3A_35 to %scan3A_37 step %scan3A_38  : i32 {
      %mul3A_289 = arith.constant 16 : i32
      %mul3A_290 = arith.muli %scan3A_288, %mul3A_289 : i32
      %get3A = arith.index_cast %mul3A_290 : i32 to index
      %get3A_291 = tpu.vector_load %arg6[%get3A] {strides = array<i32>} : memref<1024xi32, #tpu.memory_space<vmem>>, vector<16xi32>,
      %shift_right_arithmetic3A = arith.constant 9 : i32
      %shift_right_arithmetic3A_292 = vector.broadcast %shift_right_arithmetic3A : i32 to vector<16xi32>
      %shift_right_arithmetic3A_293 = arith.shrsi %get3A_291, %shift_right_arithmetic3A_292 : vector<16xi32>
      %and3A_294 = arith.constant 511 : i32
      %and3A_295 = vector.broadcast %and3A_294 : i32 to vector<16xi32>
      %and3A_296 = arith.andi %get3A_291, %and3A_295 : vector<16xi32>
      %shift_right_arithmetic3A_297 = arith.constant 3 : i32
      %shift_right_arithmetic3A_298 = vector.broadcast %shift_right_arithmetic3A_297 : i32 to vector<16xi32>
      %shift_right_arithmetic3A_299 = arith.shrsi %shift_right_arithmetic3A_293, %shift_right_arithmetic3A_298 : vector<16xi32>
      %shift_left3A = arith.constant 12 : i32
      %shift_left3A_300 = vector.broadcast %shift_left3A : i32 to vector<16xi32>
      %shift_left3A_301 = arith.shli %shift_right_arithmetic3A_299, %shift_left3A_300 : vector<16xi32>
      %shift_right_arithmetic3A_302 = arith.constant 7 : i32
      %shift_right_arithmetic3A_303 = vector.broadcast %shift_right_arithmetic3A_302 : i32 to vector<16xi32>
      %shift_right_arithmetic3A_304 = arith.shrsi %and3A_296, %shift_right_arithmetic3A_303 : vector<16xi32>
      %shift_left3A_305 = arith.constant 10 : i32
      %shift_left3A_306 = vector.broadcast %shift_left3A_305 : i32 to vector<16xi32>
      %shift_left3A_307 = arith.shli %shift_right_arithmetic3A_304, %shift_left3A_306 : vector<16xi32>
      %add3A_308 = arith.addi %shift_left3A_301, %shift_left3A_307 : vector<16xi32>
      %and3A_309 = arith.constant 7 : i32
      %and3A_310 = vector.broadcast %and3A_309 : i32 to vector<16xi32>
      %and3A_311 = arith.andi %shift_right_arithmetic3A_293, %and3A_310 : vector<16xi32>
      %shift_left3A_312 = arith.constant 7 : i32
      %shift_left3A_313 = vector.broadcast %shift_left3A_312 : i32 to vector<16xi32>
      %shift_left3A_314 = arith.shli %and3A_311, %shift_left3A_313 : vector<16xi32>
      %add3A_315 = arith.addi %add3A_308, %shift_left3A_314 : vector<16xi32>
      %and3A_316 = arith.constant 127 : i32
      %and3A_317 = vector.broadcast %and3A_316 : i32 to vector<16xi32>
      %and3A_318 = arith.andi %and3A_296, %and3A_317 : vector<16xi32>
      %add3A_319 = arith.addi %add3A_315, %and3A_318 : vector<16xi32>
      %mul3A_320 = arith.constant 3 : i32
      %mul3A_321 = arith.muli %select_n3A, %mul3A_320 : i32
      %add3A_322 = arith.constant 0 : i32
      %add3A_323 = arith.addi %mul3A_321, %add3A_322 : i32
      %mul3A_324 = arith.constant 262144 : i32
      %mul3A_325 = arith.muli %add3A_323, %mul3A_324 : i32
      %add3A_326 = vector.broadcast %mul3A_325 : i32 to vector<16xi32>
      %add3A_327 = arith.addi %add3A_319, %add3A_326 : vector<16xi32>
      %add3A_328 = arith.constant 0 : i32
      %add3A_329 = arith.addi %add3A_328, %mul3A_290 : i32
      %swap3A = arith.index_cast %add3A_329 : i32 to index
      %swap3A_330 = tpu.vector_load %arg7[%swap3A] {strides = array<i32>} : memref<3072xi32, #tpu.memory_space<vmem>>, vector<16xi32>,
      tpu.vector_store %arg7[%swap3A], %add3A_327 {strides = array<i32>} : memref<3072xi32, #tpu.memory_space<vmem>>, vector<16xi32>,
      %mul3A_331 = arith.constant 3 : i32
      %mul3A_332 = arith.muli %select_n3A, %mul3A_331 : i32
      %add3A_333 = arith.constant 1 : i32
      %add3A_334 = arith.addi %mul3A_332, %add3A_333 : i32
      %mul3A_335 = arith.constant 262144 : i32
      %mul3A_336 = arith.muli %add3A_334, %mul3A_335 : i32
      %add3A_337 = vector.broadcast %mul3A_336 : i32 to vector<16xi32>
      %add3A_338 = arith.addi %add3A_319, %add3A_337 : vector<16xi32>
      %add3A_339 = arith.constant 1024 : i32
      %add3A_340 = arith.addi %add3A_339, %mul3A_290 : i32
      %swap3A_341 = arith.index_cast %add3A_340 : i32 to index
      %swap3A_342 = tpu.vector_load %arg7[%swap3A_341] {strides = array<i32>} : memref<3072xi32, #tpu.memory_space<vmem>>, vector<16xi32>,
      tpu.vector_store %arg7[%swap3A_341], %add3A_338 {strides = array<i32>} : memref<3072xi32, #tpu.memory_space<vmem>>, vector<16xi32>,
      %mul3A_343 = arith.constant 3 : i32
      %mul3A_344 = arith.muli %select_n3A, %mul3A_343 : i32
      %add3A_345 = arith.constant 2 : i32
      %add3A_346 = arith.addi %mul3A_344, %add3A_345 : i32
      %mul3A_347 = arith.constant 262144 : i32
      %mul3A_348 = arith.muli %add3A_346, %mul3A_347 : i32
      %add3A_349 = vector.broadcast %mul3A_348 : i32 to vector<16xi32>
      %add3A_350 = arith.addi %add3A_319, %add3A_349 : vector<16xi32>
      %add3A_351 = arith.constant 2048 : i32
      %add3A_352 = arith.addi %add3A_351, %mul3A_290 : i32
      %swap3A_353 = arith.index_cast %add3A_352 : i32 to index
      %swap3A_354 = tpu.vector_load %arg7[%swap3A_353] {strides = array<i32>} : memref<3072xi32, #tpu.memory_space<vmem>>, vector<16xi32>,
      tpu.vector_store %arg7[%swap3A_353], %add3A_350 {strides = array<i32>} : memref<3072xi32, #tpu.memory_space<vmem>>, vector<16xi32>,
    }
    %scan3A_39 = arith.constant 16 : i32
    %dma_start3A = arith.constant 0 : i32
    %dma_start3A_40 = tpu.memref_slice %arg8[%dma_start3A] : memref<3072xf32, #tpu.memory_space<vmem>> -> memref<256xf32, #tpu.memory_space<vmem>>
    %dma_start3A_41 = arith.constant 0 : i32
    %dma_start3A_42 = tpu.memref_slice %arg7[%dma_start3A_41] : memref<3072xi32, #tpu.memory_space<vmem>> -> memref<256xi32, #tpu.memory_space<vmem>>
    %dma_start3A_43 = arith.constant 0 : i32
    %dma_start3A_44 = tpu.memref_slice %arg3[%dma_start3A_43] : memref<6291456xf32, #tpu.memory_space<hbm>> -> memref<6291456xf32, #tpu.memory_space<hbm>>
    tpu.enqueue_indirect_dma source(%dma_start3A_44 : memref<6291456xf32, #tpu.memory_space<hbm>>) target(%dma_start3A_40 : memref<256xf32, #tpu.memory_space<vmem>>) offsets(%dma_start3A_42 : memref<256xi32, #tpu.memory_space<vmem>>) semaphore(%arg11 : memref<!tpu.dma_semaphore, #tpu.memory_space<semaphore_mem>>)
    %dma_start3A_45 = arith.constant 1024 : i32
    %dma_start3A_46 = tpu.memref_slice %arg8[%dma_start3A_45] : memref<3072xf32, #tpu.memory_space<vmem>> -> memref<256xf32, #tpu.memory_space<vmem>>
    %dma_start3A_47 = arith.constant 1024 : i32
    %dma_start3A_48 = tpu.memref_slice %arg7[%dma_start3A_47] : memref<3072xi32, #tpu.memory_space<vmem>> -> memref<256xi32, #tpu.memory_space<vmem>>
    %dma_start3A_49 = arith.constant 0 : i32
    %dma_start3A_50 = tpu.memref_slice %arg3[%dma_start3A_49] : memref<6291456xf32, #tpu.memory_space<hbm>> -> memref<6291456xf32, #tpu.memory_space<hbm>>
    tpu.enqueue_indirect_dma source(%dma_start3A_50 : memref<6291456xf32, #tpu.memory_space<hbm>>) target(%dma_start3A_46 : memref<256xf32, #tpu.memory_space<vmem>>) offsets(%dma_start3A_48 : memref<256xi32, #tpu.memory_space<vmem>>) semaphore(%arg11 : memref<!tpu.dma_semaphore, #tpu.memory_space<semaphore_mem>>)
    %dma_start3A_51 = arith.constant 2048 : i32
    %dma_start3A_52 = tpu.memref_slice %arg8[%dma_start3A_51] : memref<3072xf32, #tpu.memory_space<vmem>> -> memref<256xf32, #tpu.memory_space<vmem>>
    %dma_start3A_53 = arith.constant 2048 : i32
    %dma_start3A_54 = tpu.memref_slice %arg7[%dma_start3A_53] : memref<3072xi32, #tpu.memory_space<vmem>> -> memref<256xi32, #tpu.memory_space<vmem>>
    %dma_start3A_55 = arith.constant 0 : i32
    %dma_start3A_56 = tpu.memref_slice %arg3[%dma_start3A_55] : memref<6291456xf32, #tpu.memory_space<hbm>> -> memref<6291456xf32, #tpu.memory_space<hbm>>
    tpu.enqueue_indirect_dma source(%dma_start3A_56 : memref<6291456xf32, #tpu.memory_space<hbm>>) target(%dma_start3A_52 : memref<256xf32, #tpu.memory_space<vmem>>) offsets(%dma_start3A_54 : memref<256xi32, #tpu.memory_space<vmem>>) semaphore(%arg11 : memref<!tpu.dma_semaphore, #tpu.memory_space<semaphore_mem>>)
    %scan3A_57 = arith.constant 0 : i32
    %scan3A_58 = arith.constant 16 : i32
    %scan3A_59 = arith.constant 16 : i32
    %scan3A_60 = arith.addi %scan3A_58, %scan3A_59 : i32
    %scan3A_61 = arith.constant 1 : i32
    scf.for %scan3A_288 = %scan3A_58 to %scan3A_60 step %scan3A_61  : i32 {
      %mul3A_289 = arith.constant 16 : i32
      %mul3A_290 = arith.muli %scan3A_288, %mul3A_289 : i32
      %get3A = arith.index_cast %mul3A_290 : i32 to index
      %get3A_291 = tpu.vector_load %arg6[%get3A] {strides = array<i32>} : memref<1024xi32, #tpu.memory_space<vmem>>, vector<16xi32>,
      %shift_right_arithmetic3A = arith.constant 9 : i32
      %shift_right_arithmetic3A_292 = vector.broadcast %shift_right_arithmetic3A : i32 to vector<16xi32>
      %shift_right_arithmetic3A_293 = arith.shrsi %get3A_291, %shift_right_arithmetic3A_292 : vector<16xi32>
      %and3A_294 = arith.constant 511 : i32
      %and3A_295 = vector.broadcast %and3A_294 : i32 to vector<16xi32>
      %and3A_296 = arith.andi %get3A_291, %and3A_295 : vector<16xi32>
      %shift_right_arithmetic3A_297 = arith.constant 3 : i32
      %shift_right_arithmetic3A_298 = vector.broadcast %shift_right_arithmetic3A_297 : i32 to vector<16xi32>
      %shift_right_arithmetic3A_299 = arith.shrsi %shift_right_arithmetic3A_293, %shift_right_arithmetic3A_298 : vector<16xi32>
      %shift_left3A = arith.constant 12 : i32
      %shift_left3A_300 = vector.broadcast %shift_left3A : i32 to vector<16xi32>
      %shift_left3A_301 = arith.shli %shift_right_arithmetic3A_299, %shift_left3A_300 : vector<16xi32>
      %shift_right_arithmetic3A_302 = arith.constant 7 : i32
      %shift_right_arithmetic3A_303 = vector.broadcast %shift_right_arithmetic3A_302 : i32 to vector<16xi32>
      %shift_right_arithmetic3A_304 = arith.shrsi %and3A_296, %shift_right_arithmetic3A_303 : vector<16xi32>
      %shift_left3A_305 = arith.constant 10 : i32
      %shift_left3A_306 = vector.broadcast %shift_left3A_305 : i32 to vector<16xi32>
      %shift_left3A_307 = arith.shli %shift_right_arithmetic3A_304, %shift_left3A_306 : vector<16xi32>
      %add3A_308 = arith.addi %shift_left3A_301, %shift_left3A_307 : vector<16xi32>
      %and3A_309 = arith.constant 7 : i32
      %and3A_310 = vector.broadcast %and3A_309 : i32 to vector<16xi32>
      %and3A_311 = arith.andi %shift_right_arithmetic3A_293, %and3A_310 : vector<16xi32>
      %shift_left3A_312 = arith.constant 7 : i32
      %shift_left3A_313 = vector.broadcast %shift_left3A_312 : i32 to vector<16xi32>
      %shift_left3A_314 = arith.shli %and3A_311, %shift_left3A_313 : vector<16xi32>
      %add3A_315 = arith.addi %add3A_308, %shift_left3A_314 : vector<16xi32>
      %and3A_316 = arith.constant 127 : i32
      %and3A_317 = vector.broadcast %and3A_316 : i32 to vector<16xi32>
      %and3A_318 = arith.andi %and3A_296, %and3A_317 : vector<16xi32>
      %add3A_319 = arith.addi %add3A_315, %and3A_318 : vector<16xi32>
      %mul3A_320 = arith.constant 3 : i32
      %mul3A_321 = arith.muli %select_n3A, %mul3A_320 : i32
      %add3A_322 = arith.constant 0 : i32
      %add3A_323 = arith.addi %mul3A_321, %add3A_322 : i32
      %mul3A_324 = arith.constant 262144 : i32
      %mul3A_325 = arith.muli %add3A_323, %mul3A_324 : i32
      %add3A_326 = vector.broadcast %mul3A_325 : i32 to vector<16xi32>
      %add3A_327 = arith.addi %add3A_319, %add3A_326 : vector<16xi32>
      %add3A_328 = arith.constant 0 : i32
      %add3A_329 = arith.addi %add3A_328, %mul3A_290 : i32
      %swap3A = arith.index_cast %add3A_329 : i32 to index
      %swap3A_330 = tpu.vector_load %arg7[%swap3A] {strides = array<i32>} : memref<3072xi32, #tpu.memory_space<vmem>>, vector<16xi32>,
      tpu.vector_store %arg7[%swap3A], %add3A_327 {strides = array<i32>} : memref<3072xi32, #tpu.memory_space<vmem>>, vector<16xi32>,
      %mul3A_331 = arith.constant 3 : i32
      %mul3A_332 = arith.muli %select_n3A, %mul3A_331 : i32
      %add3A_333 = arith.constant 1 : i32
      %add3A_334 = arith.addi %mul3A_332, %add3A_333 : i32
      %mul3A_335 = arith.constant 262144 : i32
      %mul3A_336 = arith.muli %add3A_334, %mul3A_335 : i32
      %add3A_337 = vector.broadcast %mul3A_336 : i32 to vector<16xi32>
      %add3A_338 = arith.addi %add3A_319, %add3A_337 : vector<16xi32>
      %add3A_339 = arith.constant 1024 : i32
      %add3A_340 = arith.addi %add3A_339, %mul3A_290 : i32
      %swap3A_341 = arith.index_cast %add3A_340 : i32 to index
      %swap3A_342 = tpu.vector_load %arg7[%swap3A_341] {strides = array<i32>} : memref<3072xi32, #tpu.memory_space<vmem>>, vector<16xi32>,
      tpu.vector_store %arg7[%swap3A_341], %add3A_338 {strides = array<i32>} : memref<3072xi32, #tpu.memory_space<vmem>>, vector<16xi32>,
      %mul3A_343 = arith.constant 3 : i32
      %mul3A_344 = arith.muli %select_n3A, %mul3A_343 : i32
      %add3A_345 = arith.constant 2 : i32
      %add3A_346 = arith.addi %mul3A_344, %add3A_345 : i32
      %mul3A_347 = arith.constant 262144 : i32
      %mul3A_348 = arith.muli %add3A_346, %mul3A_347 : i32
      %add3A_349 = vector.broadcast %mul3A_348 : i32 to vector<16xi32>
      %add3A_350 = arith.addi %add3A_319, %add3A_349 : vector<16xi32>
      %add3A_351 = arith.constant 2048 : i32
      %add3A_352 = arith.addi %add3A_351, %mul3A_290 : i32
      %swap3A_353 = arith.index_cast %add3A_352 : i32 to index
      %swap3A_354 = tpu.vector_load %arg7[%swap3A_353] {strides = array<i32>} : memref<3072xi32, #tpu.memory_space<vmem>>, vector<16xi32>,
      tpu.vector_store %arg7[%swap3A_353], %add3A_350 {strides = array<i32>} : memref<3072xi32, #tpu.memory_space<vmem>>, vector<16xi32>,
    }
    %scan3A_62 = arith.constant 16 : i32
    %dma_start3A_63 = arith.constant 256 : i32
    %dma_start3A_64 = tpu.memref_slice %arg8[%dma_start3A_63] : memref<3072xf32, #tpu.memory_space<vmem>> -> memref<256xf32, #tpu.memory_space<vmem>>
    %dma_start3A_65 = arith.constant 256 : i32
    %dma_start3A_66 = tpu.memref_slice %arg7[%dma_start3A_65] : memref<3072xi32, #tpu.memory_space<vmem>> -> memref<256xi32, #tpu.memory_space<vmem>>
    %dma_start3A_67 = arith.constant 0 : i32
    %dma_start3A_68 = tpu.memref_slice %arg3[%dma_start3A_67] : memref<6291456xf32, #tpu.memory_space<hbm>> -> memref<6291456xf32, #tpu.memory_space<hbm>>
    tpu.enqueue_indirect_dma source(%dma_start3A_68 : memref<6291456xf32, #tpu.memory_space<hbm>>) target(%dma_start3A_64 : memref<256xf32, #tpu.memory_space<vmem>>) offsets(%dma_start3A_66 : memref<256xi32, #tpu.memory_space<vmem>>) semaphore(%arg11 : memref<!tpu.dma_semaphore, #tpu.memory_space<semaphore_mem>>)
    %dma_start3A_69 = arith.constant 1280 : i32
    %dma_start3A_70 = tpu.memref_slice %arg8[%dma_start3A_69] : memref<3072xf32, #tpu.memory_space<vmem>> -> memref<256xf32, #tpu.memory_space<vmem>>
    %dma_start3A_71 = arith.constant 1280 : i32
    %dma_start3A_72 = tpu.memref_slice %arg7[%dma_start3A_71] : memref<3072xi32, #tpu.memory_space<vmem>> -> memref<256xi32, #tpu.memory_space<vmem>>
    %dma_start3A_73 = arith.constant 0 : i32
    %dma_start3A_74 = tpu.memref_slice %arg3[%dma_start3A_73] : memref<6291456xf32, #tpu.memory_space<hbm>> -> memref<6291456xf32, #tpu.memory_space<hbm>>
    tpu.enqueue_indirect_dma source(%dma_start3A_74 : memref<6291456xf32, #tpu.memory_space<hbm>>) target(%dma_start3A_70 : memref<256xf32, #tpu.memory_space<vmem>>) offsets(%dma_start3A_72 : memref<256xi32, #tpu.memory_space<vmem>>) semaphore(%arg11 : memref<!tpu.dma_semaphore, #tpu.memory_space<semaphore_mem>>)
    %dma_start3A_75 = arith.constant 2304 : i32
    %dma_start3A_76 = tpu.memref_slice %arg8[%dma_start3A_75] : memref<3072xf32, #tpu.memory_space<vmem>> -> memref<256xf32, #tpu.memory_space<vmem>>
    %dma_start3A_77 = arith.constant 2304 : i32
    %dma_start3A_78 = tpu.memref_slice %arg7[%dma_start3A_77] : memref<3072xi32, #tpu.memory_space<vmem>> -> memref<256xi32, #tpu.memory_space<vmem>>
    %dma_start3A_79 = arith.constant 0 : i32
    %dma_start3A_80 = tpu.memref_slice %arg3[%dma_start3A_79] : memref<6291456xf32, #tpu.memory_space<hbm>> -> memref<6291456xf32, #tpu.memory_space<hbm>>
    tpu.enqueue_indirect_dma source(%dma_start3A_80 : memref<6291456xf32, #tpu.memory_space<hbm>>) target(%dma_start3A_76 : memref<256xf32, #tpu.memory_space<vmem>>) offsets(%dma_start3A_78 : memref<256xi32, #tpu.memory_space<vmem>>) semaphore(%arg11 : memref<!tpu.dma_semaphore, #tpu.memory_space<semaphore_mem>>)
    %scan3A_81 = arith.constant 0 : i32
    %scan3A_82 = arith.constant 32 : i32
    %scan3A_83 = arith.constant 16 : i32
    %scan3A_84 = arith.addi %scan3A_82, %scan3A_83 : i32
    %scan3A_85 = arith.constant 1 : i32
    scf.for %scan3A_288 = %scan3A_82 to %scan3A_84 step %scan3A_85  : i32 {
      %mul3A_289 = arith.constant 16 : i32
      %mul3A_290 = arith.muli %scan3A_288, %mul3A_289 : i32
      %get3A = arith.index_cast %mul3A_290 : i32 to index
      %get3A_291 = tpu.vector_load %arg6[%get3A] {strides = array<i32>} : memref<1024xi32, #tpu.memory_space<vmem>>, vector<16xi32>,
      %shift_right_arithmetic3A = arith.constant 9 : i32
      %shift_right_arithmetic3A_292 = vector.broadcast %shift_right_arithmetic3A : i32 to vector<16xi32>
      %shift_right_arithmetic3A_293 = arith.shrsi %get3A_291, %shift_right_arithmetic3A_292 : vector<16xi32>
      %and3A_294 = arith.constant 511 : i32
      %and3A_295 = vector.broadcast %and3A_294 : i32 to vector<16xi32>
      %and3A_296 = arith.andi %get3A_291, %and3A_295 : vector<16xi32>
      %shift_right_arithmetic3A_297 = arith.constant 3 : i32
      %shift_right_arithmetic3A_298 = vector.broadcast %shift_right_arithmetic3A_297 : i32 to vector<16xi32>
      %shift_right_arithmetic3A_299 = arith.shrsi %shift_right_arithmetic3A_293, %shift_right_arithmetic3A_298 : vector<16xi32>
      %shift_left3A = arith.constant 12 : i32
      %shift_left3A_300 = vector.broadcast %shift_left3A : i32 to vector<16xi32>
      %shift_left3A_301 = arith.shli %shift_right_arithmetic3A_299, %shift_left3A_300 : vector<16xi32>
      %shift_right_arithmetic3A_302 = arith.constant 7 : i32
      %shift_right_arithmetic3A_303 = vector.broadcast %shift_right_arithmetic3A_302 : i32 to vector<16xi32>
      %shift_right_arithmetic3A_304 = arith.shrsi %and3A_296, %shift_right_arithmetic3A_303 : vector<16xi32>
      %shift_left3A_305 = arith.constant 10 : i32
      %shift_left3A_306 = vector.broadcast %shift_left3A_305 : i32 to vector<16xi32>
      %shift_left3A_307 = arith.shli %shift_right_arithmetic3A_304, %shift_left3A_306 : vector<16xi32>
      %add3A_308 = arith.addi %shift_left3A_301, %shift_left3A_307 : vector<16xi32>
      %and3A_309 = arith.constant 7 : i32
      %and3A_310 = vector.broadcast %and3A_309 : i32 to vector<16xi32>
      %and3A_311 = arith.andi %shift_right_arithmetic3A_293, %and3A_310 : vector<16xi32>
      %shift_left3A_312 = arith.constant 7 : i32
      %shift_left3A_313 = vector.broadcast %shift_left3A_312 : i32 to vector<16xi32>
      %shift_left3A_314 = arith.shli %and3A_311, %shift_left3A_313 : vector<16xi32>
      %add3A_315 = arith.addi %add3A_308, %shift_left3A_314 : vector<16xi32>
      %and3A_316 = arith.constant 127 : i32
      %and3A_317 = vector.broadcast %and3A_316 : i32 to vector<16xi32>
      %and3A_318 = arith.andi %and3A_296, %and3A_317 : vector<16xi32>
      %add3A_319 = arith.addi %add3A_315, %and3A_318 : vector<16xi32>
      %mul3A_320 = arith.constant 3 : i32
      %mul3A_321 = arith.muli %select_n3A, %mul3A_320 : i32
      %add3A_322 = arith.constant 0 : i32
      %add3A_323 = arith.addi %mul3A_321, %add3A_322 : i32
      %mul3A_324 = arith.constant 262144 : i32
      %mul3A_325 = arith.muli %add3A_323, %mul3A_324 : i32
      %add3A_326 = vector.broadcast %mul3A_325 : i32 to vector<16xi32>
      %add3A_327 = arith.addi %add3A_319, %add3A_326 : vector<16xi32>
      %add3A_328 = arith.constant 0 : i32
      %add3A_329 = arith.addi %add3A_328, %mul3A_290 : i32
      %swap3A = arith.index_cast %add3A_329 : i32 to index
      %swap3A_330 = tpu.vector_load %arg7[%swap3A] {strides = array<i32>} : memref<3072xi32, #tpu.memory_space<vmem>>, vector<16xi32>,
      tpu.vector_store %arg7[%swap3A], %add3A_327 {strides = array<i32>} : memref<3072xi32, #tpu.memory_space<vmem>>, vector<16xi32>,
      %mul3A_331 = arith.constant 3 : i32
      %mul3A_332 = arith.muli %select_n3A, %mul3A_331 : i32
      %add3A_333 = arith.constant 1 : i32
      %add3A_334 = arith.addi %mul3A_332, %add3A_333 : i32
      %mul3A_335 = arith.constant 262144 : i32
      %mul3A_336 = arith.muli %add3A_334, %mul3A_335 : i32
      %add3A_337 = vector.broadcast %mul3A_336 : i32 to vector<16xi32>
      %add3A_338 = arith.addi %add3A_319, %add3A_337 : vector<16xi32>
      %add3A_339 = arith.constant 1024 : i32
      %add3A_340 = arith.addi %add3A_339, %mul3A_290 : i32
      %swap3A_341 = arith.index_cast %add3A_340 : i32 to index
      %swap3A_342 = tpu.vector_load %arg7[%swap3A_341] {strides = array<i32>} : memref<3072xi32, #tpu.memory_space<vmem>>, vector<16xi32>,
      tpu.vector_store %arg7[%swap3A_341], %add3A_338 {strides = array<i32>} : memref<3072xi32, #tpu.memory_space<vmem>>, vector<16xi32>,
      %mul3A_343 = arith.constant 3 : i32
      %mul3A_344 = arith.muli %select_n3A, %mul3A_343 : i32
      %add3A_345 = arith.constant 2 : i32
      %add3A_346 = arith.addi %mul3A_344, %add3A_345 : i32
      %mul3A_347 = arith.constant 262144 : i32
      %mul3A_348 = arith.muli %add3A_346, %mul3A_347 : i32
      %add3A_349 = vector.broadcast %mul3A_348 : i32 to vector<16xi32>
      %add3A_350 = arith.addi %add3A_319, %add3A_349 : vector<16xi32>
      %add3A_351 = arith.constant 2048 : i32
      %add3A_352 = arith.addi %add3A_351, %mul3A_290 : i32
      %swap3A_353 = arith.index_cast %add3A_352 : i32 to index
      %swap3A_354 = tpu.vector_load %arg7[%swap3A_353] {strides = array<i32>} : memref<3072xi32, #tpu.memory_space<vmem>>, vector<16xi32>,
      tpu.vector_store %arg7[%swap3A_353], %add3A_350 {strides = array<i32>} : memref<3072xi32, #tpu.memory_space<vmem>>, vector<16xi32>,
    }
    %scan3A_86 = arith.constant 16 : i32
    %dma_start3A_87 = arith.constant 512 : i32
    %dma_start3A_88 = tpu.memref_slice %arg8[%dma_start3A_87] : memref<3072xf32, #tpu.memory_space<vmem>> -> memref<256xf32, #tpu.memory_space<vmem>>
    %dma_start3A_89 = arith.constant 512 : i32
    %dma_start3A_90 = tpu.memref_slice %arg7[%dma_start3A_89] : memref<3072xi32, #tpu.memory_space<vmem>> -> memref<256xi32, #tpu.memory_space<vmem>>
    %dma_start3A_91 = arith.constant 0 : i32
    %dma_start3A_92 = tpu.memref_slice %arg3[%dma_start3A_91] : memref<6291456xf32, #tpu.memory_space<hbm>> -> memref<6291456xf32, #tpu.memory_space<hbm>>
    tpu.enqueue_indirect_dma source(%dma_start3A_92 : memref<6291456xf32, #tpu.memory_space<hbm>>) target(%dma_start3A_88 : memref<256xf32, #tpu.memory_space<vmem>>) offsets(%dma_start3A_90 : memref<256xi32, #tpu.memory_space<vmem>>) semaphore(%arg11 : memref<!tpu.dma_semaphore, #tpu.memory_space<semaphore_mem>>)
    %dma_start3A_93 = arith.constant 1536 : i32
    %dma_start3A_94 = tpu.memref_slice %arg8[%dma_start3A_93] : memref<3072xf32, #tpu.memory_space<vmem>> -> memref<256xf32, #tpu.memory_space<vmem>>
    %dma_start3A_95 = arith.constant 1536 : i32
    %dma_start3A_96 = tpu.memref_slice %arg7[%dma_start3A_95] : memref<3072xi32, #tpu.memory_space<vmem>> -> memref<256xi32, #tpu.memory_space<vmem>>
    %dma_start3A_97 = arith.constant 0 : i32
    %dma_start3A_98 = tpu.memref_slice %arg3[%dma_start3A_97] : memref<6291456xf32, #tpu.memory_space<hbm>> -> memref<6291456xf32, #tpu.memory_space<hbm>>
    tpu.enqueue_indirect_dma source(%dma_start3A_98 : memref<6291456xf32, #tpu.memory_space<hbm>>) target(%dma_start3A_94 : memref<256xf32, #tpu.memory_space<vmem>>) offsets(%dma_start3A_96 : memref<256xi32, #tpu.memory_space<vmem>>) semaphore(%arg11 : memref<!tpu.dma_semaphore, #tpu.memory_space<semaphore_mem>>)
    %dma_start3A_99 = arith.constant 2560 : i32
    %dma_start3A_100 = tpu.memref_slice %arg8[%dma_start3A_99] : memref<3072xf32, #tpu.memory_space<vmem>> -> memref<256xf32, #tpu.memory_space<vmem>>
    %dma_start3A_101 = arith.constant 2560 : i32
    %dma_start3A_102 = tpu.memref_slice %arg7[%dma_start3A_101] : memref<3072xi32, #tpu.memory_space<vmem>> -> memref<256xi32, #tpu.memory_space<vmem>>
    %dma_start3A_103 = arith.constant 0 : i32
    %dma_start3A_104 = tpu.memref_slice %arg3[%dma_start3A_103] : memref<6291456xf32, #tpu.memory_space<hbm>> -> memref<6291456xf32, #tpu.memory_space<hbm>>
    tpu.enqueue_indirect_dma source(%dma_start3A_104 : memref<6291456xf32, #tpu.memory_space<hbm>>) target(%dma_start3A_100 : memref<256xf32, #tpu.memory_space<vmem>>) offsets(%dma_start3A_102 : memref<256xi32, #tpu.memory_space<vmem>>) semaphore(%arg11 : memref<!tpu.dma_semaphore, #tpu.memory_space<semaphore_mem>>)
    %scan3A_105 = arith.constant 0 : i32
    %scan3A_106 = arith.constant 48 : i32
    %scan3A_107 = arith.constant 16 : i32
    %scan3A_108 = arith.addi %scan3A_106, %scan3A_107 : i32
    %scan3A_109 = arith.constant 1 : i32
    scf.for %scan3A_288 = %scan3A_106 to %scan3A_108 step %scan3A_109  : i32 {
      %mul3A_289 = arith.constant 16 : i32
      %mul3A_290 = arith.muli %scan3A_288, %mul3A_289 : i32
      %get3A = arith.index_cast %mul3A_290 : i32 to index
      %get3A_291 = tpu.vector_load %arg6[%get3A] {strides = array<i32>} : memref<1024xi32, #tpu.memory_space<vmem>>, vector<16xi32>,
      %shift_right_arithmetic3A = arith.constant 9 : i32
      %shift_right_arithmetic3A_292 = vector.broadcast %shift_right_arithmetic3A : i32 to vector<16xi32>
      %shift_right_arithmetic3A_293 = arith.shrsi %get3A_291, %shift_right_arithmetic3A_292 : vector<16xi32>
      %and3A_294 = arith.constant 511 : i32
      %and3A_295 = vector.broadcast %and3A_294 : i32 to vector<16xi32>
      %and3A_296 = arith.andi %get3A_291, %and3A_295 : vector<16xi32>
      %shift_right_arithmetic3A_297 = arith.constant 3 : i32
      %shift_right_arithmetic3A_298 = vector.broadcast %shift_right_arithmetic3A_297 : i32 to vector<16xi32>
      %shift_right_arithmetic3A_299 = arith.shrsi %shift_right_arithmetic3A_293, %shift_right_arithmetic3A_298 : vector<16xi32>
      %shift_left3A = arith.constant 12 : i32
      %shift_left3A_300 = vector.broadcast %shift_left3A : i32 to vector<16xi32>
      %shift_left3A_301 = arith.shli %shift_right_arithmetic3A_299, %shift_left3A_300 : vector<16xi32>
      %shift_right_arithmetic3A_302 = arith.constant 7 : i32
      %shift_right_arithmetic3A_303 = vector.broadcast %shift_right_arithmetic3A_302 : i32 to vector<16xi32>
      %shift_right_arithmetic3A_304 = arith.shrsi %and3A_296, %shift_right_arithmetic3A_303 : vector<16xi32>
      %shift_left3A_305 = arith.constant 10 : i32
      %shift_left3A_306 = vector.broadcast %shift_left3A_305 : i32 to vector<16xi32>
      %shift_left3A_307 = arith.shli %shift_right_arithmetic3A_304, %shift_left3A_306 : vector<16xi32>
      %add3A_308 = arith.addi %shift_left3A_301, %shift_left3A_307 : vector<16xi32>
      %and3A_309 = arith.constant 7 : i32
      %and3A_310 = vector.broadcast %and3A_309 : i32 to vector<16xi32>
      %and3A_311 = arith.andi %shift_right_arithmetic3A_293, %and3A_310 : vector<16xi32>
      %shift_left3A_312 = arith.constant 7 : i32
      %shift_left3A_313 = vector.broadcast %shift_left3A_312 : i32 to vector<16xi32>
      %shift_left3A_314 = arith.shli %and3A_311, %shift_left3A_313 : vector<16xi32>
      %add3A_315 = arith.addi %add3A_308, %shift_left3A_314 : vector<16xi32>
      %and3A_316 = arith.constant 127 : i32
      %and3A_317 = vector.broadcast %and3A_316 : i32 to vector<16xi32>
      %and3A_318 = arith.andi %and3A_296, %and3A_317 : vector<16xi32>
      %add3A_319 = arith.addi %add3A_315, %and3A_318 : vector<16xi32>
      %mul3A_320 = arith.constant 3 : i32
      %mul3A_321 = arith.muli %select_n3A, %mul3A_320 : i32
      %add3A_322 = arith.constant 0 : i32
      %add3A_323 = arith.addi %mul3A_321, %add3A_322 : i32
      %mul3A_324 = arith.constant 262144 : i32
      %mul3A_325 = arith.muli %add3A_323, %mul3A_324 : i32
      %add3A_326 = vector.broadcast %mul3A_325 : i32 to vector<16xi32>
      %add3A_327 = arith.addi %add3A_319, %add3A_326 : vector<16xi32>
      %add3A_328 = arith.constant 0 : i32
      %add3A_329 = arith.addi %add3A_328, %mul3A_290 : i32
      %swap3A = arith.index_cast %add3A_329 : i32 to index
      %swap3A_330 = tpu.vector_load %arg7[%swap3A] {strides = array<i32>} : memref<3072xi32, #tpu.memory_space<vmem>>, vector<16xi32>,
      tpu.vector_store %arg7[%swap3A], %add3A_327 {strides = array<i32>} : memref<3072xi32, #tpu.memory_space<vmem>>, vector<16xi32>,
      %mul3A_331 = arith.constant 3 : i32
      %mul3A_332 = arith.muli %select_n3A, %mul3A_331 : i32
      %add3A_333 = arith.constant 1 : i32
      %add3A_334 = arith.addi %mul3A_332, %add3A_333 : i32
      %mul3A_335 = arith.constant 262144 : i32
      %mul3A_336 = arith.muli %add3A_334, %mul3A_335 : i32
      %add3A_337 = vector.broadcast %mul3A_336 : i32 to vector<16xi32>
      %add3A_338 = arith.addi %add3A_319, %add3A_337 : vector<16xi32>
      %add3A_339 = arith.constant 1024 : i32
      %add3A_340 = arith.addi %add3A_339, %mul3A_290 : i32
      %swap3A_341 = arith.index_cast %add3A_340 : i32 to index
      %swap3A_342 = tpu.vector_load %arg7[%swap3A_341] {strides = array<i32>} : memref<3072xi32, #tpu.memory_space<vmem>>, vector<16xi32>,
      tpu.vector_store %arg7[%swap3A_341], %add3A_338 {strides = array<i32>} : memref<3072xi32, #tpu.memory_space<vmem>>, vector<16xi32>,
      %mul3A_343 = arith.constant 3 : i32
      %mul3A_344 = arith.muli %select_n3A, %mul3A_343 : i32
      %add3A_345 = arith.constant 2 : i32
      %add3A_346 = arith.addi %mul3A_344, %add3A_345 : i32
      %mul3A_347 = arith.constant 262144 : i32
      %mul3A_348 = arith.muli %add3A_346, %mul3A_347 : i32
      %add3A_349 = vector.broadcast %mul3A_348 : i32 to vector<16xi32>
      %add3A_350 = arith.addi %add3A_319, %add3A_349 : vector<16xi32>
      %add3A_351 = arith.constant 2048 : i32
      %add3A_352 = arith.addi %add3A_351, %mul3A_290 : i32
      %swap3A_353 = arith.index_cast %add3A_352 : i32 to index
      %swap3A_354 = tpu.vector_load %arg7[%swap3A_353] {strides = array<i32>} : memref<3072xi32, #tpu.memory_space<vmem>>, vector<16xi32>,
      tpu.vector_store %arg7[%swap3A_353], %add3A_350 {strides = array<i32>} : memref<3072xi32, #tpu.memory_space<vmem>>, vector<16xi32>,
    }
    %scan3A_110 = arith.constant 16 : i32
    %dma_start3A_111 = arith.constant 768 : i32
    %dma_start3A_112 = tpu.memref_slice %arg8[%dma_start3A_111] : memref<3072xf32, #tpu.memory_space<vmem>> -> memref<256xf32, #tpu.memory_space<vmem>>
    %dma_start3A_113 = arith.constant 768 : i32
    %dma_start3A_114 = tpu.memref_slice %arg7[%dma_start3A_113] : memref<3072xi32, #tpu.memory_space<vmem>> -> memref<256xi32, #tpu.memory_space<vmem>>
    %dma_start3A_115 = arith.constant 0 : i32
    %dma_start3A_116 = tpu.memref_slice %arg3[%dma_start3A_115] : memref<6291456xf32, #tpu.memory_space<hbm>> -> memref<6291456xf32, #tpu.memory_space<hbm>>
    tpu.enqueue_indirect_dma source(%dma_start3A_116 : memref<6291456xf32, #tpu.memory_space<hbm>>) target(%dma_start3A_112 : memref<256xf32, #tpu.memory_space<vmem>>) offsets(%dma_start3A_114 : memref<256xi32, #tpu.memory_space<vmem>>) semaphore(%arg11 : memref<!tpu.dma_semaphore, #tpu.memory_space<semaphore_mem>>)
    %dma_start3A_117 = arith.constant 1792 : i32
    %dma_start3A_118 = tpu.memref_slice %arg8[%dma_start3A_117] : memref<3072xf32, #tpu.memory_space<vmem>> -> memref<256xf32, #tpu.memory_space<vmem>>
    %dma_start3A_119 = arith.constant 1792 : i32
    %dma_start3A_120 = tpu.memref_slice %arg7[%dma_start3A_119] : memref<3072xi32, #tpu.memory_space<vmem>> -> memref<256xi32, #tpu.memory_space<vmem>>
    %dma_start3A_121 = arith.constant 0 : i32
    %dma_start3A_122 = tpu.memref_slice %arg3[%dma_start3A_121] : memref<6291456xf32, #tpu.memory_space<hbm>> -> memref<6291456xf32, #tpu.memory_space<hbm>>
    tpu.enqueue_indirect_dma source(%dma_start3A_122 : memref<6291456xf32, #tpu.memory_space<hbm>>) target(%dma_start3A_118 : memref<256xf32, #tpu.memory_space<vmem>>) offsets(%dma_start3A_120 : memref<256xi32, #tpu.memory_space<vmem>>) semaphore(%arg11 : memref<!tpu.dma_semaphore, #tpu.memory_space<semaphore_mem>>)
    %dma_start3A_123 = arith.constant 2816 : i32
    %dma_start3A_124 = tpu.memref_slice %arg8[%dma_start3A_123] : memref<3072xf32, #tpu.memory_space<vmem>> -> memref<256xf32, #tpu.memory_space<vmem>>
    %dma_start3A_125 = arith.constant 2816 : i32
    %dma_start3A_126 = tpu.memref_slice %arg7[%dma_start3A_125] : memref<3072xi32, #tpu.memory_space<vmem>> -> memref<256xi32, #tpu.memory_space<vmem>>
    %dma_start3A_127 = arith.constant 0 : i32
    %dma_start3A_128 = tpu.memref_slice %arg3[%dma_start3A_127] : memref<6291456xf32, #tpu.memory_space<hbm>> -> memref<6291456xf32, #tpu.memory_space<hbm>>
    tpu.enqueue_indirect_dma source(%dma_start3A_128 : memref<6291456xf32, #tpu.memory_space<hbm>>) target(%dma_start3A_124 : memref<256xf32, #tpu.memory_space<vmem>>) offsets(%dma_start3A_126 : memref<256xi32, #tpu.memory_space<vmem>>) semaphore(%arg11 : memref<!tpu.dma_semaphore, #tpu.memory_space<semaphore_mem>>)
    %mul3A_129 = arith.constant 1024 : i32
    %mul3A_130 = arith.muli %add3A, %mul3A_129 : i32
    %mul3A_131 = arith.constant 3 : i32
    %mul3A_132 = arith.muli %mul3A_130, %mul3A_131 : i32
    %dma_start3A_133 = tpu.memref_slice %arg5[%mul3A_132] : memref<98304xi32, #tpu.memory_space<hbm>> -> memref<3072xi32, #tpu.memory_space<hbm>>
    %dma_start3A_134 = tpu.memref_slice %arg5[%mul3A_132] : memref<98304xi32, #tpu.memory_space<hbm>> -> memref<3072xi32, #tpu.memory_space<hbm>>
    tpu.enqueue_dma source(%arg7 : memref<3072xi32, #tpu.memory_space<vmem>>) target(%dma_start3A_134 : memref<3072xi32, #tpu.memory_space<hbm>>) target_semaphore(%arg14 : memref<!tpu.dma_semaphore, #tpu.memory_space<semaphore_mem>>)
    %iota3A = tpu.iota {dimensions = array<i32: 0>} : vector<16xi32>
    %dma_wait3A = arith.constant 0 : i32
    %dma_wait3A_135 = tpu.memref_slice %arg8[%dma_wait3A] : memref<3072xf32, #tpu.memory_space<vmem>> -> memref<256xf32, #tpu.memory_space<vmem>>
    %dma_wait3A_136 = arith.constant 0 : i32
    %dma_wait3A_137 = tpu.memref_slice %arg7[%dma_wait3A_136] : memref<3072xi32, #tpu.memory_space<vmem>> -> memref<256xi32, #tpu.memory_space<vmem>>
    %dma_wait3A_138 = arith.constant 0 : i32
    %dma_wait3A_139 = tpu.memref_slice %arg3[%dma_wait3A_138] : memref<6291456xf32, #tpu.memory_space<hbm>> -> memref<6291456xf32, #tpu.memory_space<hbm>>
    tpu.wait_indirect_dma semaphore(%arg11 : memref<!tpu.dma_semaphore, #tpu.memory_space<semaphore_mem>>) src(%dma_wait3A_139 : memref<6291456xf32, #tpu.memory_space<hbm>>) dst(%dma_wait3A_135 : memref<256xf32, #tpu.memory_space<vmem>>)
    %dma_wait3A_140 = arith.constant 1024 : i32
    %dma_wait3A_141 = tpu.memref_slice %arg8[%dma_wait3A_140] : memref<3072xf32, #tpu.memory_space<vmem>> -> memref<256xf32, #tpu.memory_space<vmem>>
    %dma_wait3A_142 = arith.constant 1024 : i32
    %dma_wait3A_143 = tpu.memref_slice %arg7[%dma_wait3A_142] : memref<3072xi32, #tpu.memory_space<vmem>> -> memref<256xi32, #tpu.memory_space<vmem>>
    %dma_wait3A_144 = arith.constant 0 : i32
    %dma_wait3A_145 = tpu.memref_slice %arg3[%dma_wait3A_144] : memref<6291456xf32, #tpu.memory_space<hbm>> -> memref<6291456xf32, #tpu.memory_space<hbm>>
    tpu.wait_indirect_dma semaphore(%arg11 : memref<!tpu.dma_semaphore, #tpu.memory_space<semaphore_mem>>) src(%dma_wait3A_145 : memref<6291456xf32, #tpu.memory_space<hbm>>) dst(%dma_wait3A_141 : memref<256xf32, #tpu.memory_space<vmem>>)
    %dma_wait3A_146 = arith.constant 2048 : i32
    %dma_wait3A_147 = tpu.memref_slice %arg8[%dma_wait3A_146] : memref<3072xf32, #tpu.memory_space<vmem>> -> memref<256xf32, #tpu.memory_space<vmem>>
    %dma_wait3A_148 = arith.constant 2048 : i32
    %dma_wait3A_149 = tpu.memref_slice %arg7[%dma_wait3A_148] : memref<3072xi32, #tpu.memory_space<vmem>> -> memref<256xi32, #tpu.memory_space<vmem>>
    %dma_wait3A_150 = arith.constant 0 : i32
    %dma_wait3A_151 = tpu.memref_slice %arg3[%dma_wait3A_150] : memref<6291456xf32, #tpu.memory_space<hbm>> -> memref<6291456xf32, #tpu.memory_space<hbm>>
    tpu.wait_indirect_dma semaphore(%arg11 : memref<!tpu.dma_semaphore, #tpu.memory_space<semaphore_mem>>) src(%dma_wait3A_151 : memref<6291456xf32, #tpu.memory_space<hbm>>) dst(%dma_wait3A_147 : memref<256xf32, #tpu.memory_space<vmem>>)
    %scan3A_152 = arith.constant 0 : i32
    %scan3A_153 = arith.constant 0 : i32
    %scan3A_154 = arith.constant 16 : i32
    %scan3A_155 = arith.addi %scan3A_153, %scan3A_154 : i32
    %scan3A_156 = arith.constant 1 : i32
    scf.for %scan3A_288 = %scan3A_153 to %scan3A_155 step %scan3A_156  : i32 {
      %mul3A_289 = arith.constant 16 : i32
      %mul3A_290 = arith.muli %scan3A_288, %mul3A_289 : i32
      %add3A_291 = vector.broadcast %mul3A_290 : i32 to vector<16xi32>
      %add3A_292 = arith.addi %add3A_291, %iota3A : vector<16xi32>
      %mul3A_293 = arith.constant 16 : i32
      %mul3A_294 = arith.muli %scan3A_288, %mul3A_293 : i32
      %add3A_295 = arith.constant 0 : i32
      %add3A_296 = arith.addi %add3A_295, %mul3A_294 : i32
      %get3A = arith.index_cast %add3A_296 : i32 to index
      %get3A_297 = tpu.vector_load %arg8[%get3A] {strides = array<i32>} : memref<3072xf32, #tpu.memory_space<vmem>>, vector<16xf32>,
      %broadcast_in_dim3A = arith.constant 0 : i32
      %broadcast_in_dim3A_298 = vector.broadcast %broadcast_in_dim3A : i32 to vector<16xi32>
      tpu.vector_store_idx %arg9[%add3A_292, %broadcast_in_dim3A_298], %get3A_297 : memref<256x3xf32, #tpu.memory_space<vmem>>[vector<16xi32>, vector<16xi32>], vector<16xf32>,
      %mul3A_299 = arith.constant 16 : i32
      %mul3A_300 = arith.muli %scan3A_288, %mul3A_299 : i32
      %add3A_301 = arith.constant 1024 : i32
      %add3A_302 = arith.addi %add3A_301, %mul3A_300 : i32
      %get3A_303 = arith.index_cast %add3A_302 : i32 to index
      %get3A_304 = tpu.vector_load %arg8[%get3A_303] {strides = array<i32>} : memref<3072xf32, #tpu.memory_space<vmem>>, vector<16xf32>,
      %broadcast_in_dim3A_305 = arith.constant 1 : i32
      %broadcast_in_dim3A_306 = vector.broadcast %broadcast_in_dim3A_305 : i32 to vector<16xi32>
      tpu.vector_store_idx %arg9[%add3A_292, %broadcast_in_dim3A_306], %get3A_304 : memref<256x3xf32, #tpu.memory_space<vmem>>[vector<16xi32>, vector<16xi32>], vector<16xf32>,
      %mul3A_307 = arith.constant 16 : i32
      %mul3A_308 = arith.muli %scan3A_288, %mul3A_307 : i32
      %add3A_309 = arith.constant 2048 : i32
      %add3A_310 = arith.addi %add3A_309, %mul3A_308 : i32
      %get3A_311 = arith.index_cast %add3A_310 : i32 to index
      %get3A_312 = tpu.vector_load %arg8[%get3A_311] {strides = array<i32>} : memref<3072xf32, #tpu.memory_space<vmem>>, vector<16xf32>,
      %broadcast_in_dim3A_313 = arith.constant 2 : i32
      %broadcast_in_dim3A_314 = vector.broadcast %broadcast_in_dim3A_313 : i32 to vector<16xi32>
      tpu.vector_store_idx %arg9[%add3A_292, %broadcast_in_dim3A_314], %get3A_312 : memref<256x3xf32, #tpu.memory_space<vmem>>[vector<16xi32>, vector<16xi32>], vector<16xf32>,
    }
    %scan3A_157 = arith.constant 16 : i32
    %add3A_158 = arith.constant 0 : i32
    %add3A_159 = arith.addi %mul3A_32, %add3A_158 : i32
    %dma_start3A_160 = arith.constant 0 : i32
    %dma_start3A_161 = tpu.memref_slice %arg4[%select_n3A, %add3A_159, %dma_start3A_160] : memref<8x4096x3xf32, #tpu.memory_space<hbm>> -> memref<1x256x3xf32, #tpu.memory_space<hbm>>
    %dma_start3A_162 = tpu.memref_squeeze %dma_start3A_161 : memref<1x256x3xf32, #tpu.memory_space<hbm>> -> memref<256x3xf32, #tpu.memory_space<hbm>>
    %dma_start3A_163 = arith.constant 0 : i32
    %dma_start3A_164 = tpu.memref_slice %arg4[%select_n3A, %add3A_159, %dma_start3A_163] : memref<8x4096x3xf32, #tpu.memory_space<hbm>> -> memref<1x256x3xf32, #tpu.memory_space<hbm>>
    %dma_start3A_165 = tpu.memref_squeeze %dma_start3A_164 : memref<1x256x3xf32, #tpu.memory_space<hbm>> -> memref<256x3xf32, #tpu.memory_space<hbm>>
    tpu.enqueue_dma source(%arg9 : memref<256x3xf32, #tpu.memory_space<vmem>>) target(%dma_start3A_165 : memref<256x3xf32, #tpu.memory_space<hbm>>) target_semaphore(%arg12 : memref<!tpu.dma_semaphore, #tpu.memory_space<semaphore_mem>>)
    %dma_wait3A_166 = arith.constant 256 : i32
    %dma_wait3A_167 = tpu.memref_slice %arg8[%dma_wait3A_166] : memref<3072xf32, #tpu.memory_space<vmem>> -> memref<256xf32, #tpu.memory_space<vmem>>
    %dma_wait3A_168 = arith.constant 256 : i32
    %dma_wait3A_169 = tpu.memref_slice %arg7[%dma_wait3A_168] : memref<3072xi32, #tpu.memory_space<vmem>> -> memref<256xi32, #tpu.memory_space<vmem>>
    %dma_wait3A_170 = arith.constant 0 : i32
    %dma_wait3A_171 = tpu.memref_slice %arg3[%dma_wait3A_170] : memref<6291456xf32, #tpu.memory_space<hbm>> -> memref<6291456xf32, #tpu.memory_space<hbm>>
    tpu.wait_indirect_dma semaphore(%arg11 : memref<!tpu.dma_semaphore, #tpu.memory_space<semaphore_mem>>) src(%dma_wait3A_171 : memref<6291456xf32, #tpu.memory_space<hbm>>) dst(%dma_wait3A_167 : memref<256xf32, #tpu.memory_space<vmem>>)
    %dma_wait3A_172 = arith.constant 1280 : i32
    %dma_wait3A_173 = tpu.memref_slice %arg8[%dma_wait3A_172] : memref<3072xf32, #tpu.memory_space<vmem>> -> memref<256xf32, #tpu.memory_space<vmem>>
    %dma_wait3A_174 = arith.constant 1280 : i32
    %dma_wait3A_175 = tpu.memref_slice %arg7[%dma_wait3A_174] : memref<3072xi32, #tpu.memory_space<vmem>> -> memref<256xi32, #tpu.memory_space<vmem>>
    %dma_wait3A_176 = arith.constant 0 : i32
    %dma_wait3A_177 = tpu.memref_slice %arg3[%dma_wait3A_176] : memref<6291456xf32, #tpu.memory_space<hbm>> -> memref<6291456xf32, #tpu.memory_space<hbm>>
    tpu.wait_indirect_dma semaphore(%arg11 : memref<!tpu.dma_semaphore, #tpu.memory_space<semaphore_mem>>) src(%dma_wait3A_177 : memref<6291456xf32, #tpu.memory_space<hbm>>) dst(%dma_wait3A_173 : memref<256xf32, #tpu.memory_space<vmem>>)
    %dma_wait3A_178 = arith.constant 2304 : i32
    %dma_wait3A_179 = tpu.memref_slice %arg8[%dma_wait3A_178] : memref<3072xf32, #tpu.memory_space<vmem>> -> memref<256xf32, #tpu.memory_space<vmem>>
    %dma_wait3A_180 = arith.constant 2304 : i32
    %dma_wait3A_181 = tpu.memref_slice %arg7[%dma_wait3A_180] : memref<3072xi32, #tpu.memory_space<vmem>> -> memref<256xi32, #tpu.memory_space<vmem>>
    %dma_wait3A_182 = arith.constant 0 : i32
    %dma_wait3A_183 = tpu.memref_slice %arg3[%dma_wait3A_182] : memref<6291456xf32, #tpu.memory_space<hbm>> -> memref<6291456xf32, #tpu.memory_space<hbm>>
    tpu.wait_indirect_dma semaphore(%arg11 : memref<!tpu.dma_semaphore, #tpu.memory_space<semaphore_mem>>) src(%dma_wait3A_183 : memref<6291456xf32, #tpu.memory_space<hbm>>) dst(%dma_wait3A_179 : memref<256xf32, #tpu.memory_space<vmem>>)
    %scan3A_184 = arith.constant 0 : i32
    %scan3A_185 = arith.constant 0 : i32
    %scan3A_186 = arith.constant 16 : i32
    %scan3A_187 = arith.addi %scan3A_185, %scan3A_186 : i32
    %scan3A_188 = arith.constant 1 : i32
    scf.for %scan3A_288 = %scan3A_185 to %scan3A_187 step %scan3A_188  : i32 {
      %mul3A_289 = arith.constant 16 : i32
      %mul3A_290 = arith.muli %scan3A_288, %mul3A_289 : i32
      %add3A_291 = vector.broadcast %mul3A_290 : i32 to vector<16xi32>
      %add3A_292 = arith.addi %add3A_291, %iota3A : vector<16xi32>
      %mul3A_293 = arith.constant 16 : i32
      %mul3A_294 = arith.muli %scan3A_288, %mul3A_293 : i32
      %add3A_295 = arith.constant 256 : i32
      %add3A_296 = arith.addi %add3A_295, %mul3A_294 : i32
      %get3A = arith.index_cast %add3A_296 : i32 to index
      %get3A_297 = tpu.vector_load %arg8[%get3A] {strides = array<i32>} : memref<3072xf32, #tpu.memory_space<vmem>>, vector<16xf32>,
      %broadcast_in_dim3A = arith.constant 0 : i32
      %broadcast_in_dim3A_298 = vector.broadcast %broadcast_in_dim3A : i32 to vector<16xi32>
      tpu.vector_store_idx %arg10[%add3A_292, %broadcast_in_dim3A_298], %get3A_297 : memref<256x3xf32, #tpu.memory_space<vmem>>[vector<16xi32>, vector<16xi32>], vector<16xf32>,
      %mul3A_299 = arith.constant 16 : i32
      %mul3A_300 = arith.muli %scan3A_288, %mul3A_299 : i32
      %add3A_301 = arith.constant 1280 : i32
      %add3A_302 = arith.addi %add3A_301, %mul3A_300 : i32
      %get3A_303 = arith.index_cast %add3A_302 : i32 to index
      %get3A_304 = tpu.vector_load %arg8[%get3A_303] {strides = array<i32>} : memref<3072xf32, #tpu.memory_space<vmem>>, vector<16xf32>,
      %broadcast_in_dim3A_305 = arith.constant 1 : i32
      %broadcast_in_dim3A_306 = vector.broadcast %broadcast_in_dim3A_305 : i32 to vector<16xi32>
      tpu.vector_store_idx %arg10[%add3A_292, %broadcast_in_dim3A_306], %get3A_304 : memref<256x3xf32, #tpu.memory_space<vmem>>[vector<16xi32>, vector<16xi32>], vector<16xf32>,
      %mul3A_307 = arith.constant 16 : i32
      %mul3A_308 = arith.muli %scan3A_288, %mul3A_307 : i32
      %add3A_309 = arith.constant 2304 : i32
      %add3A_310 = arith.addi %add3A_309, %mul3A_308 : i32
      %get3A_311 = arith.index_cast %add3A_310 : i32 to index
      %get3A_312 = tpu.vector_load %arg8[%get3A_311] {strides = array<i32>} : memref<3072xf32, #tpu.memory_space<vmem>>, vector<16xf32>,
      %broadcast_in_dim3A_313 = arith.constant 2 : i32
      %broadcast_in_dim3A_314 = vector.broadcast %broadcast_in_dim3A_313 : i32 to vector<16xi32>
      tpu.vector_store_idx %arg10[%add3A_292, %broadcast_in_dim3A_314], %get3A_312 : memref<256x3xf32, #tpu.memory_space<vmem>>[vector<16xi32>, vector<16xi32>], vector<16xf32>,
    }
    %scan3A_189 = arith.constant 16 : i32
    %add3A_190 = arith.constant 256 : i32
    %add3A_191 = arith.addi %mul3A_32, %add3A_190 : i32
    %dma_start3A_192 = arith.constant 0 : i32
    %dma_start3A_193 = tpu.memref_slice %arg4[%select_n3A, %add3A_191, %dma_start3A_192] : memref<8x4096x3xf32, #tpu.memory_space<hbm>> -> memref<1x256x3xf32, #tpu.memory_space<hbm>>
    %dma_start3A_194 = tpu.memref_squeeze %dma_start3A_193 : memref<1x256x3xf32, #tpu.memory_space<hbm>> -> memref<256x3xf32, #tpu.memory_space<hbm>>
    %dma_start3A_195 = arith.constant 0 : i32
    %dma_start3A_196 = tpu.memref_slice %arg4[%select_n3A, %add3A_191, %dma_start3A_195] : memref<8x4096x3xf32, #tpu.memory_space<hbm>> -> memref<1x256x3xf32, #tpu.memory_space<hbm>>
    %dma_start3A_197 = tpu.memref_squeeze %dma_start3A_196 : memref<1x256x3xf32, #tpu.memory_space<hbm>> -> memref<256x3xf32, #tpu.memory_space<hbm>>
    tpu.enqueue_dma source(%arg10 : memref<256x3xf32, #tpu.memory_space<vmem>>) target(%dma_start3A_197 : memref<256x3xf32, #tpu.memory_space<hbm>>) target_semaphore(%arg13 : memref<!tpu.dma_semaphore, #tpu.memory_space<semaphore_mem>>)
    %dma_wait3A_198 = arith.constant 0 : i32
    %dma_wait3A_199 = tpu.memref_slice %arg4[%select_n3A, %add3A_159, %dma_wait3A_198] : memref<8x4096x3xf32, #tpu.memory_space<hbm>> -> memref<1x256x3xf32, #tpu.memory_space<hbm>>
    %dma_wait3A_200 = tpu.memref_squeeze %dma_wait3A_199 : memref<1x256x3xf32, #tpu.memory_space<hbm>> -> memref<256x3xf32, #tpu.memory_space<hbm>>
    %dma_wait3A_201 = arith.constant 0 : i32
    %dma_wait3A_202 = tpu.memref_slice %arg4[%select_n3A, %add3A_159, %dma_wait3A_201] : memref<8x4096x3xf32, #tpu.memory_space<hbm>> -> memref<1x256x3xf32, #tpu.memory_space<hbm>>
    %dma_wait3A_203 = tpu.memref_squeeze %dma_wait3A_202 : memref<1x256x3xf32, #tpu.memory_space<hbm>> -> memref<256x3xf32, #tpu.memory_space<hbm>>
    tpu.wait_dma2 semaphore(%arg12 : memref<!tpu.dma_semaphore, #tpu.memory_space<semaphore_mem>>) src(%arg9 : memref<256x3xf32, #tpu.memory_space<vmem>>) dst(%dma_wait3A_203 : memref<256x3xf32, #tpu.memory_space<hbm>>)
    %dma_wait3A_204 = arith.constant 512 : i32
    %dma_wait3A_205 = tpu.memref_slice %arg8[%dma_wait3A_204] : memref<3072xf32, #tpu.memory_space<vmem>> -> memref<256xf32, #tpu.memory_space<vmem>>
    %dma_wait3A_206 = arith.constant 512 : i32
    %dma_wait3A_207 = tpu.memref_slice %arg7[%dma_wait3A_206] : memref<3072xi32, #tpu.memory_space<vmem>> -> memref<256xi32, #tpu.memory_space<vmem>>
    %dma_wait3A_208 = arith.constant 0 : i32
    %dma_wait3A_209 = tpu.memref_slice %arg3[%dma_wait3A_208] : memref<6291456xf32, #tpu.memory_space<hbm>> -> memref<6291456xf32, #tpu.memory_space<hbm>>
    tpu.wait_indirect_dma semaphore(%arg11 : memref<!tpu.dma_semaphore, #tpu.memory_space<semaphore_mem>>) src(%dma_wait3A_209 : memref<6291456xf32, #tpu.memory_space<hbm>>) dst(%dma_wait3A_205 : memref<256xf32, #tpu.memory_space<vmem>>)
    %dma_wait3A_210 = arith.constant 1536 : i32
    %dma_wait3A_211 = tpu.memref_slice %arg8[%dma_wait3A_210] : memref<3072xf32, #tpu.memory_space<vmem>> -> memref<256xf32, #tpu.memory_space<vmem>>
    %dma_wait3A_212 = arith.constant 1536 : i32
    %dma_wait3A_213 = tpu.memref_slice %arg7[%dma_wait3A_212] : memref<3072xi32, #tpu.memory_space<vmem>> -> memref<256xi32, #tpu.memory_space<vmem>>
    %dma_wait3A_214 = arith.constant 0 : i32
    %dma_wait3A_215 = tpu.memref_slice %arg3[%dma_wait3A_214] : memref<6291456xf32, #tpu.memory_space<hbm>> -> memref<6291456xf32, #tpu.memory_space<hbm>>
    tpu.wait_indirect_dma semaphore(%arg11 : memref<!tpu.dma_semaphore, #tpu.memory_space<semaphore_mem>>) src(%dma_wait3A_215 : memref<6291456xf32, #tpu.memory_space<hbm>>) dst(%dma_wait3A_211 : memref<256xf32, #tpu.memory_space<vmem>>)
    %dma_wait3A_216 = arith.constant 2560 : i32
    %dma_wait3A_217 = tpu.memref_slice %arg8[%dma_wait3A_216] : memref<3072xf32, #tpu.memory_space<vmem>> -> memref<256xf32, #tpu.memory_space<vmem>>
    %dma_wait3A_218 = arith.constant 2560 : i32
    %dma_wait3A_219 = tpu.memref_slice %arg7[%dma_wait3A_218] : memref<3072xi32, #tpu.memory_space<vmem>> -> memref<256xi32, #tpu.memory_space<vmem>>
    %dma_wait3A_220 = arith.constant 0 : i32
    %dma_wait3A_221 = tpu.memref_slice %arg3[%dma_wait3A_220] : memref<6291456xf32, #tpu.memory_space<hbm>> -> memref<6291456xf32, #tpu.memory_space<hbm>>
    tpu.wait_indirect_dma semaphore(%arg11 : memref<!tpu.dma_semaphore, #tpu.memory_space<semaphore_mem>>) src(%dma_wait3A_221 : memref<6291456xf32, #tpu.memory_space<hbm>>) dst(%dma_wait3A_217 : memref<256xf32, #tpu.memory_space<vmem>>)
    %scan3A_222 = arith.constant 0 : i32
    %scan3A_223 = arith.constant 0 : i32
    %scan3A_224 = arith.constant 16 : i32
    %scan3A_225 = arith.addi %scan3A_223, %scan3A_224 : i32
    %scan3A_226 = arith.constant 1 : i32
    scf.for %scan3A_288 = %scan3A_223 to %scan3A_225 step %scan3A_226  : i32 {
      %mul3A_289 = arith.constant 16 : i32
      %mul3A_290 = arith.muli %scan3A_288, %mul3A_289 : i32
      %add3A_291 = vector.broadcast %mul3A_290 : i32 to vector<16xi32>
      %add3A_292 = arith.addi %add3A_291, %iota3A : vector<16xi32>
      %mul3A_293 = arith.constant 16 : i32
      %mul3A_294 = arith.muli %scan3A_288, %mul3A_293 : i32
      %add3A_295 = arith.constant 512 : i32
      %add3A_296 = arith.addi %add3A_295, %mul3A_294 : i32
      %get3A = arith.index_cast %add3A_296 : i32 to index
      %get3A_297 = tpu.vector_load %arg8[%get3A] {strides = array<i32>} : memref<3072xf32, #tpu.memory_space<vmem>>, vector<16xf32>,
      %broadcast_in_dim3A = arith.constant 0 : i32
      %broadcast_in_dim3A_298 = vector.broadcast %broadcast_in_dim3A : i32 to vector<16xi32>
      tpu.vector_store_idx %arg9[%add3A_292, %broadcast_in_dim3A_298], %get3A_297 : memref<256x3xf32, #tpu.memory_space<vmem>>[vector<16xi32>, vector<16xi32>], vector<16xf32>,
      %mul3A_299 = arith.constant 16 : i32
      %mul3A_300 = arith.muli %scan3A_288, %mul3A_299 : i32
      %add3A_301 = arith.constant 1536 : i32
      %add3A_302 = arith.addi %add3A_301, %mul3A_300 : i32
      %get3A_303 = arith.index_cast %add3A_302 : i32 to index
      %get3A_304 = tpu.vector_load %arg8[%get3A_303] {strides = array<i32>} : memref<3072xf32, #tpu.memory_space<vmem>>, vector<16xf32>,
      %broadcast_in_dim3A_305 = arith.constant 1 : i32
      %broadcast_in_dim3A_306 = vector.broadcast %broadcast_in_dim3A_305 : i32 to vector<16xi32>
      tpu.vector_store_idx %arg9[%add3A_292, %broadcast_in_dim3A_306], %get3A_304 : memref<256x3xf32, #tpu.memory_space<vmem>>[vector<16xi32>, vector<16xi32>], vector<16xf32>,
      %mul3A_307 = arith.constant 16 : i32
      %mul3A_308 = arith.muli %scan3A_288, %mul3A_307 : i32
      %add3A_309 = arith.constant 2560 : i32
      %add3A_310 = arith.addi %add3A_309, %mul3A_308 : i32
      %get3A_311 = arith.index_cast %add3A_310 : i32 to index
      %get3A_312 = tpu.vector_load %arg8[%get3A_311] {strides = array<i32>} : memref<3072xf32, #tpu.memory_space<vmem>>, vector<16xf32>,
      %broadcast_in_dim3A_313 = arith.constant 2 : i32
      %broadcast_in_dim3A_314 = vector.broadcast %broadcast_in_dim3A_313 : i32 to vector<16xi32>
      tpu.vector_store_idx %arg9[%add3A_292, %broadcast_in_dim3A_314], %get3A_312 : memref<256x3xf32, #tpu.memory_space<vmem>>[vector<16xi32>, vector<16xi32>], vector<16xf32>,
    }
    %scan3A_227 = arith.constant 16 : i32
    %add3A_228 = arith.constant 512 : i32
    %add3A_229 = arith.addi %mul3A_32, %add3A_228 : i32
    %dma_start3A_230 = arith.constant 0 : i32
    %dma_start3A_231 = tpu.memref_slice %arg4[%select_n3A, %add3A_229, %dma_start3A_230] : memref<8x4096x3xf32, #tpu.memory_space<hbm>> -> memref<1x256x3xf32, #tpu.memory_space<hbm>>
    %dma_start3A_232 = tpu.memref_squeeze %dma_start3A_231 : memref<1x256x3xf32, #tpu.memory_space<hbm>> -> memref<256x3xf32, #tpu.memory_space<hbm>>
    %dma_start3A_233 = arith.constant 0 : i32
    %dma_start3A_234 = tpu.memref_slice %arg4[%select_n3A, %add3A_229, %dma_start3A_233] : memref<8x4096x3xf32, #tpu.memory_space<hbm>> -> memref<1x256x3xf32, #tpu.memory_space<hbm>>
    %dma_start3A_235 = tpu.memref_squeeze %dma_start3A_234 : memref<1x256x3xf32, #tpu.memory_space<hbm>> -> memref<256x3xf32, #tpu.memory_space<hbm>>
    tpu.enqueue_dma source(%arg9 : memref<256x3xf32, #tpu.memory_space<vmem>>) target(%dma_start3A_235 : memref<256x3xf32, #tpu.memory_space<hbm>>) target_semaphore(%arg12 : memref<!tpu.dma_semaphore, #tpu.memory_space<semaphore_mem>>)
    %dma_wait3A_236 = arith.constant 0 : i32
    %dma_wait3A_237 = tpu.memref_slice %arg4[%select_n3A, %add3A_191, %dma_wait3A_236] : memref<8x4096x3xf32, #tpu.memory_space<hbm>> -> memref<1x256x3xf32, #tpu.memory_space<hbm>>
    %dma_wait3A_238 = tpu.memref_squeeze %dma_wait3A_237 : memref<1x256x3xf32, #tpu.memory_space<hbm>> -> memref<256x3xf32, #tpu.memory_space<hbm>>
    %dma_wait3A_239 = arith.constant 0 : i32
    %dma_wait3A_240 = tpu.memref_slice %arg4[%select_n3A, %add3A_191, %dma_wait3A_239] : memref<8x4096x3xf32, #tpu.memory_space<hbm>> -> memref<1x256x3xf32, #tpu.memory_space<hbm>>
    %dma_wait3A_241 = tpu.memref_squeeze %dma_wait3A_240 : memref<1x256x3xf32, #tpu.memory_space<hbm>> -> memref<256x3xf32, #tpu.memory_space<hbm>>
    tpu.wait_dma2 semaphore(%arg13 : memref<!tpu.dma_semaphore, #tpu.memory_space<semaphore_mem>>) src(%arg10 : memref<256x3xf32, #tpu.memory_space<vmem>>) dst(%dma_wait3A_241 : memref<256x3xf32, #tpu.memory_space<hbm>>)
    %dma_wait3A_242 = arith.constant 768 : i32
    %dma_wait3A_243 = tpu.memref_slice %arg8[%dma_wait3A_242] : memref<3072xf32, #tpu.memory_space<vmem>> -> memref<256xf32, #tpu.memory_space<vmem>>
    %dma_wait3A_244 = arith.constant 768 : i32
    %dma_wait3A_245 = tpu.memref_slice %arg7[%dma_wait3A_244] : memref<3072xi32, #tpu.memory_space<vmem>> -> memref<256xi32, #tpu.memory_space<vmem>>
    %dma_wait3A_246 = arith.constant 0 : i32
    %dma_wait3A_247 = tpu.memref_slice %arg3[%dma_wait3A_246] : memref<6291456xf32, #tpu.memory_space<hbm>> -> memref<6291456xf32, #tpu.memory_space<hbm>>
    tpu.wait_indirect_dma semaphore(%arg11 : memref<!tpu.dma_semaphore, #tpu.memory_space<semaphore_mem>>) src(%dma_wait3A_247 : memref<6291456xf32, #tpu.memory_space<hbm>>) dst(%dma_wait3A_243 : memref<256xf32, #tpu.memory_space<vmem>>)
    %dma_wait3A_248 = arith.constant 1792 : i32
    %dma_wait3A_249 = tpu.memref_slice %arg8[%dma_wait3A_248] : memref<3072xf32, #tpu.memory_space<vmem>> -> memref<256xf32, #tpu.memory_space<vmem>>
    %dma_wait3A_250 = arith.constant 1792 : i32
    %dma_wait3A_251 = tpu.memref_slice %arg7[%dma_wait3A_250] : memref<3072xi32, #tpu.memory_space<vmem>> -> memref<256xi32, #tpu.memory_space<vmem>>
    %dma_wait3A_252 = arith.constant 0 : i32
    %dma_wait3A_253 = tpu.memref_slice %arg3[%dma_wait3A_252] : memref<6291456xf32, #tpu.memory_space<hbm>> -> memref<6291456xf32, #tpu.memory_space<hbm>>
    tpu.wait_indirect_dma semaphore(%arg11 : memref<!tpu.dma_semaphore, #tpu.memory_space<semaphore_mem>>) src(%dma_wait3A_253 : memref<6291456xf32, #tpu.memory_space<hbm>>) dst(%dma_wait3A_249 : memref<256xf32, #tpu.memory_space<vmem>>)
    %dma_wait3A_254 = arith.constant 2816 : i32
    %dma_wait3A_255 = tpu.memref_slice %arg8[%dma_wait3A_254] : memref<3072xf32, #tpu.memory_space<vmem>> -> memref<256xf32, #tpu.memory_space<vmem>>
    %dma_wait3A_256 = arith.constant 2816 : i32
    %dma_wait3A_257 = tpu.memref_slice %arg7[%dma_wait3A_256] : memref<3072xi32, #tpu.memory_space<vmem>> -> memref<256xi32, #tpu.memory_space<vmem>>
    %dma_wait3A_258 = arith.constant 0 : i32
    %dma_wait3A_259 = tpu.memref_slice %arg3[%dma_wait3A_258] : memref<6291456xf32, #tpu.memory_space<hbm>> -> memref<6291456xf32, #tpu.memory_space<hbm>>
    tpu.wait_indirect_dma semaphore(%arg11 : memref<!tpu.dma_semaphore, #tpu.memory_space<semaphore_mem>>) src(%dma_wait3A_259 : memref<6291456xf32, #tpu.memory_space<hbm>>) dst(%dma_wait3A_255 : memref<256xf32, #tpu.memory_space<vmem>>)
    %scan3A_260 = arith.constant 0 : i32
    %scan3A_261 = arith.constant 0 : i32
    %scan3A_262 = arith.constant 16 : i32
    %scan3A_263 = arith.addi %scan3A_261, %scan3A_262 : i32
    %scan3A_264 = arith.constant 1 : i32
    scf.for %scan3A_288 = %scan3A_261 to %scan3A_263 step %scan3A_264  : i32 {
      %mul3A_289 = arith.constant 16 : i32
      %mul3A_290 = arith.muli %scan3A_288, %mul3A_289 : i32
      %add3A_291 = vector.broadcast %mul3A_290 : i32 to vector<16xi32>
      %add3A_292 = arith.addi %add3A_291, %iota3A : vector<16xi32>
      %mul3A_293 = arith.constant 16 : i32
      %mul3A_294 = arith.muli %scan3A_288, %mul3A_293 : i32
      %add3A_295 = arith.constant 768 : i32
      %add3A_296 = arith.addi %add3A_295, %mul3A_294 : i32
      %get3A = arith.index_cast %add3A_296 : i32 to index
      %get3A_297 = tpu.vector_load %arg8[%get3A] {strides = array<i32>} : memref<3072xf32, #tpu.memory_space<vmem>>, vector<16xf32>,
      %broadcast_in_dim3A = arith.constant 0 : i32
      %broadcast_in_dim3A_298 = vector.broadcast %broadcast_in_dim3A : i32 to vector<16xi32>
      tpu.vector_store_idx %arg10[%add3A_292, %broadcast_in_dim3A_298], %get3A_297 : memref<256x3xf32, #tpu.memory_space<vmem>>[vector<16xi32>, vector<16xi32>], vector<16xf32>,
      %mul3A_299 = arith.constant 16 : i32
      %mul3A_300 = arith.muli %scan3A_288, %mul3A_299 : i32
      %add3A_301 = arith.constant 1792 : i32
      %add3A_302 = arith.addi %add3A_301, %mul3A_300 : i32
      %get3A_303 = arith.index_cast %add3A_302 : i32 to index
      %get3A_304 = tpu.vector_load %arg8[%get3A_303] {strides = array<i32>} : memref<3072xf32, #tpu.memory_space<vmem>>, vector<16xf32>,
      %broadcast_in_dim3A_305 = arith.constant 1 : i32
      %broadcast_in_dim3A_306 = vector.broadcast %broadcast_in_dim3A_305 : i32 to vector<16xi32>
      tpu.vector_store_idx %arg10[%add3A_292, %broadcast_in_dim3A_306], %get3A_304 : memref<256x3xf32, #tpu.memory_space<vmem>>[vector<16xi32>, vector<16xi32>], vector<16xf32>,
      %mul3A_307 = arith.constant 16 : i32
      %mul3A_308 = arith.muli %scan3A_288, %mul3A_307 : i32
      %add3A_309 = arith.constant 2816 : i32
      %add3A_310 = arith.addi %add3A_309, %mul3A_308 : i32
      %get3A_311 = arith.index_cast %add3A_310 : i32 to index
      %get3A_312 = tpu.vector_load %arg8[%get3A_311] {strides = array<i32>} : memref<3072xf32, #tpu.memory_space<vmem>>, vector<16xf32>,
      %broadcast_in_dim3A_313 = arith.constant 2 : i32
      %broadcast_in_dim3A_314 = vector.broadcast %broadcast_in_dim3A_313 : i32 to vector<16xi32>
      tpu.vector_store_idx %arg10[%add3A_292, %broadcast_in_dim3A_314], %get3A_312 : memref<256x3xf32, #tpu.memory_space<vmem>>[vector<16xi32>, vector<16xi32>], vector<16xf32>,
    }
    %scan3A_265 = arith.constant 16 : i32
    %add3A_266 = arith.constant 768 : i32
    %add3A_267 = arith.addi %mul3A_32, %add3A_266 : i32
    %dma_start3A_268 = arith.constant 0 : i32
    %dma_start3A_269 = tpu.memref_slice %arg4[%select_n3A, %add3A_267, %dma_start3A_268] : memref<8x4096x3xf32, #tpu.memory_space<hbm>> -> memref<1x256x3xf32, #tpu.memory_space<hbm>>
    %dma_start3A_270 = tpu.memref_squeeze %dma_start3A_269 : memref<1x256x3xf32, #tpu.memory_space<hbm>> -> memref<256x3xf32, #tpu.memory_space<hbm>>
    %dma_start3A_271 = arith.constant 0 : i32
    %dma_start3A_272 = tpu.memref_slice %arg4[%select_n3A, %add3A_267, %dma_start3A_271] : memref<8x4096x3xf32, #tpu.memory_space<hbm>> -> memref<1x256x3xf32, #tpu.memory_space<hbm>>
    %dma_start3A_273 = tpu.memref_squeeze %dma_start3A_272 : memref<1x256x3xf32, #tpu.memory_space<hbm>> -> memref<256x3xf32, #tpu.memory_space<hbm>>
    tpu.enqueue_dma source(%arg10 : memref<256x3xf32, #tpu.memory_space<vmem>>) target(%dma_start3A_273 : memref<256x3xf32, #tpu.memory_space<hbm>>) target_semaphore(%arg13 : memref<!tpu.dma_semaphore, #tpu.memory_space<semaphore_mem>>)
    %dma_wait3A_274 = arith.constant 0 : i32
    %dma_wait3A_275 = tpu.memref_slice %arg4[%select_n3A, %add3A_229, %dma_wait3A_274] : memref<8x4096x3xf32, #tpu.memory_space<hbm>> -> memref<1x256x3xf32, #tpu.memory_space<hbm>>
    %dma_wait3A_276 = tpu.memref_squeeze %dma_wait3A_275 : memref<1x256x3xf32, #tpu.memory_space<hbm>> -> memref<256x3xf32, #tpu.memory_space<hbm>>
    %dma_wait3A_277 = arith.constant 0 : i32
    %dma_wait3A_278 = tpu.memref_slice %arg4[%select_n3A, %add3A_229, %dma_wait3A_277] : memref<8x4096x3xf32, #tpu.memory_space<hbm>> -> memref<1x256x3xf32, #tpu.memory_space<hbm>>
    %dma_wait3A_279 = tpu.memref_squeeze %dma_wait3A_278 : memref<1x256x3xf32, #tpu.memory_space<hbm>> -> memref<256x3xf32, #tpu.memory_space<hbm>>
    tpu.wait_dma2 semaphore(%arg12 : memref<!tpu.dma_semaphore, #tpu.memory_space<semaphore_mem>>) src(%arg9 : memref<256x3xf32, #tpu.memory_space<vmem>>) dst(%dma_wait3A_279 : memref<256x3xf32, #tpu.memory_space<hbm>>)
    %dma_wait3A_280 = arith.constant 0 : i32
    %dma_wait3A_281 = tpu.memref_slice %arg4[%select_n3A, %add3A_267, %dma_wait3A_280] : memref<8x4096x3xf32, #tpu.memory_space<hbm>> -> memref<1x256x3xf32, #tpu.memory_space<hbm>>
    %dma_wait3A_282 = tpu.memref_squeeze %dma_wait3A_281 : memref<1x256x3xf32, #tpu.memory_space<hbm>> -> memref<256x3xf32, #tpu.memory_space<hbm>>
    %dma_wait3A_283 = arith.constant 0 : i32
    %dma_wait3A_284 = tpu.memref_slice %arg4[%select_n3A, %add3A_267, %dma_wait3A_283] : memref<8x4096x3xf32, #tpu.memory_space<hbm>> -> memref<1x256x3xf32, #tpu.memory_space<hbm>>
    %dma_wait3A_285 = tpu.memref_squeeze %dma_wait3A_284 : memref<1x256x3xf32, #tpu.memory_space<hbm>> -> memref<256x3xf32, #tpu.memory_space<hbm>>
    tpu.wait_dma2 semaphore(%arg13 : memref<!tpu.dma_semaphore, #tpu.memory_space<semaphore_mem>>) src(%arg10 : memref<256x3xf32, #tpu.memory_space<vmem>>) dst(%dma_wait3A_285 : memref<256x3xf32, #tpu.memory_space<hbm>>)
    %dma_wait3A_286 = tpu.memref_slice %arg5[%mul3A_132] : memref<98304xi32, #tpu.memory_space<hbm>> -> memref<3072xi32, #tpu.memory_space<hbm>>
    %dma_wait3A_287 = tpu.memref_slice %arg5[%mul3A_132] : memref<98304xi32, #tpu.memory_space<hbm>> -> memref<3072xi32, #tpu.memory_space<hbm>>
    tpu.wait_dma2 semaphore(%arg14 : memref<!tpu.dma_semaphore, #tpu.memory_space<semaphore_mem>>) src(%arg7 : memref<3072xi32, #tpu.memory_space<vmem>>) dst(%dma_wait3A_287 : memref<3072xi32, #tpu.memory_space<hbm>>)
    return
  }
}

#map = affine_map<(d0, d1) -> (0)>
#map1 = affine_map<(d0, d1) -> (0, 0, 0)>
module attributes {stable_mosaic.version = 14 : i64} {
  func.func @_sample_origins(%arg0: i32, %arg1: i32, %arg2: memref<98304xi32, #tpu.memory_space<hbm>>, %arg3: memref<6291456xf32, #tpu.memory_space<hbm>>, %arg4: memref<8x4096x3xf32, #tpu.memory_space<hbm>>, %arg5: memref<3072xi32, #tpu.memory_space<vmem>>, %arg6: memref<3072xf32, #tpu.memory_space<vmem>>, %arg7: memref<256x3xf32, #tpu.memory_space<vmem>>, %arg8: memref<256x3xf32, #tpu.memory_space<vmem>>, %arg9: memref<!tpu.dma_semaphore, #tpu.memory_space<semaphore_mem>>, %arg10: memref<!tpu.dma_semaphore, #tpu.memory_space<semaphore_mem>>, %arg11: memref<!tpu.dma_semaphore, #tpu.memory_space<semaphore_mem>>) attributes {dimension_semantics = [#tpu.dimension_semantics<core_parallel>, #tpu.dimension_semantics<subcore_parallel>], iteration_bounds = array<i64: 2, 16>, scalar_prefetch = 0 : i64, scratch_operands = 7 : i64, tpu.core_type = #tpu.core_type<sc_vector_subcore>, window_params = [{transform_indices = #map}, {transform_indices = #map}, {transform_indices = #map1}]} {
    %mul3A = arith.constant 2 : i32
    %mul3A_0 = arith.muli %arg1, %mul3A : i32
    %add3A = arith.addi %mul3A_0, %arg0 : i32
    %jit3A = arith.constant 4 : i32
    %div3A = arith.divsi %add3A, %jit3A : i32
    %sign3A = arith.constant 0 : i32
    %sign3A_1 = arith.cmpi sgt, %add3A, %sign3A : i32
    %sign3A_2 = arith.extui %sign3A_1 : i1 to i32
    %sign3A_3 = arith.constant 0 : i32
    %sign3A_4 = arith.cmpi slt, %add3A, %sign3A_3 : i32
    %sign3A_5 = arith.extui %sign3A_4 : i1 to i32
    %sign3A_6 = arith.subi %sign3A_2, %sign3A_5 : i32
    %sign3A_7 = arith.constant 0 : i32
    %sign3A_8 = arith.cmpi sgt, %jit3A, %sign3A_7 : i32
    %sign3A_9 = arith.extui %sign3A_8 : i1 to i32
    %sign3A_10 = arith.constant 0 : i32
    %sign3A_11 = arith.cmpi slt, %jit3A, %sign3A_10 : i32
    %sign3A_12 = arith.extui %sign3A_11 : i1 to i32
    %sign3A_13 = arith.subi %sign3A_9, %sign3A_12 : i32
    %ne3A = arith.cmpi ne, %sign3A_6, %sign3A_13 : i32
    %rem3A = arith.remsi %add3A, %jit3A : i32
    %ne3A_14 = arith.constant 0 : i32
    %ne3A_15 = arith.cmpi ne, %rem3A, %ne3A_14 : i32
    %and3A = arith.andi %ne3A, %ne3A_15 : i1
    %sub3A = arith.constant 1 : i32
    %sub3A_16 = arith.subi %div3A, %sub3A : i32
    %select_n3A = arith.select %and3A, %sub3A_16, %div3A : i32
    %jit3A_17 = arith.constant 4 : i32
    %eq3A = arith.constant 0 : i32
    %eq3A_18 = arith.cmpi eq, %jit3A_17, %eq3A : i32
    %jit3A_19 = arith.constant 1 : i32
    %select_n3A_20 = arith.select %eq3A_18, %jit3A_19, %jit3A_17 : i32
    %rem3A_21 = arith.remsi %add3A, %select_n3A_20 : i32
    %ne3A_22 = arith.constant 0 : i32
    %ne3A_23 = arith.cmpi ne, %rem3A_21, %ne3A_22 : i32
    %lt3A = arith.constant 0 : i32
    %lt3A_24 = arith.cmpi slt, %rem3A_21, %lt3A : i32
    %lt3A_25 = arith.constant 0 : i32
    %lt3A_26 = arith.cmpi slt, %select_n3A_20, %lt3A_25 : i32
    %ne3A_27 = arith.xori %lt3A_24, %lt3A_26 : i1
    %and3A_28 = arith.andi %ne3A_27, %ne3A_23 : i1
    %add3A_29 = arith.addi %rem3A_21, %select_n3A_20 : i32
    %select_n3A_30 = arith.select %and3A_28, %add3A_29, %rem3A_21 : i32
    %mul3A_31 = arith.constant 1024 : i32
    %mul3A_32 = arith.muli %select_n3A_30, %mul3A_31 : i32
    %mul3A_33 = arith.constant 1024 : i32
    %mul3A_34 = arith.muli %add3A, %mul3A_33 : i32
    %mul3A_35 = arith.constant 3 : i32
    %mul3A_36 = arith.muli %mul3A_34, %mul3A_35 : i32
    "tpu.region"() ({
      %run_scoped3A = tpu.sem_alloc : memref<!tpu.dma_semaphore, #tpu.memory_space<semaphore_mem>>
      %dma_start3A_258 = tpu.memref_slice %arg2[%mul3A_36] : memref<98304xi32, #tpu.memory_space<hbm>> -> memref<3072xi32, #tpu.memory_space<hbm>>
      %dma_start3A_259 = tpu.memref_slice %arg2[%mul3A_36] : memref<98304xi32, #tpu.memory_space<hbm>> -> memref<3072xi32, #tpu.memory_space<hbm>>
      tpu.enqueue_dma source(%dma_start3A_259 : memref<3072xi32, #tpu.memory_space<hbm>>) target(%arg5 : memref<3072xi32, #tpu.memory_space<vmem>>) target_semaphore(%run_scoped3A : memref<!tpu.dma_semaphore, #tpu.memory_space<semaphore_mem>>)
      %dma_wait3A_260 = tpu.memref_slice %arg2[%mul3A_36] : memref<98304xi32, #tpu.memory_space<hbm>> -> memref<3072xi32, #tpu.memory_space<hbm>>
      %dma_wait3A_261 = tpu.memref_slice %arg2[%mul3A_36] : memref<98304xi32, #tpu.memory_space<hbm>> -> memref<3072xi32, #tpu.memory_space<hbm>>
      tpu.wait_dma2 semaphore(%run_scoped3A : memref<!tpu.dma_semaphore, #tpu.memory_space<semaphore_mem>>) src(%dma_wait3A_261 : memref<3072xi32, #tpu.memory_space<hbm>>) dst(%arg5 : memref<3072xi32, #tpu.memory_space<vmem>>)
      tpu.yield
    }) : () -> ()
    %dma_start3A = arith.constant 0 : i32
    %dma_start3A_37 = tpu.memref_slice %arg6[%dma_start3A] : memref<3072xf32, #tpu.memory_space<vmem>> -> memref<256xf32, #tpu.memory_space<vmem>>
    %dma_start3A_38 = arith.constant 0 : i32
    %dma_start3A_39 = tpu.memref_slice %arg5[%dma_start3A_38] : memref<3072xi32, #tpu.memory_space<vmem>> -> memref<256xi32, #tpu.memory_space<vmem>>
    %dma_start3A_40 = arith.constant 0 : i32
    %dma_start3A_41 = tpu.memref_slice %arg3[%dma_start3A_40] : memref<6291456xf32, #tpu.memory_space<hbm>> -> memref<6291456xf32, #tpu.memory_space<hbm>>
    tpu.enqueue_indirect_dma source(%dma_start3A_41 : memref<6291456xf32, #tpu.memory_space<hbm>>) target(%dma_start3A_37 : memref<256xf32, #tpu.memory_space<vmem>>) offsets(%dma_start3A_39 : memref<256xi32, #tpu.memory_space<vmem>>) semaphore(%arg9 : memref<!tpu.dma_semaphore, #tpu.memory_space<semaphore_mem>>)
    %dma_start3A_42 = arith.constant 1024 : i32
    %dma_start3A_43 = tpu.memref_slice %arg6[%dma_start3A_42] : memref<3072xf32, #tpu.memory_space<vmem>> -> memref<256xf32, #tpu.memory_space<vmem>>
    %dma_start3A_44 = arith.constant 1024 : i32
    %dma_start3A_45 = tpu.memref_slice %arg5[%dma_start3A_44] : memref<3072xi32, #tpu.memory_space<vmem>> -> memref<256xi32, #tpu.memory_space<vmem>>
    %dma_start3A_46 = arith.constant 0 : i32
    %dma_start3A_47 = tpu.memref_slice %arg3[%dma_start3A_46] : memref<6291456xf32, #tpu.memory_space<hbm>> -> memref<6291456xf32, #tpu.memory_space<hbm>>
    tpu.enqueue_indirect_dma source(%dma_start3A_47 : memref<6291456xf32, #tpu.memory_space<hbm>>) target(%dma_start3A_43 : memref<256xf32, #tpu.memory_space<vmem>>) offsets(%dma_start3A_45 : memref<256xi32, #tpu.memory_space<vmem>>) semaphore(%arg9 : memref<!tpu.dma_semaphore, #tpu.memory_space<semaphore_mem>>)
    %dma_start3A_48 = arith.constant 2048 : i32
    %dma_start3A_49 = tpu.memref_slice %arg6[%dma_start3A_48] : memref<3072xf32, #tpu.memory_space<vmem>> -> memref<256xf32, #tpu.memory_space<vmem>>
    %dma_start3A_50 = arith.constant 2048 : i32
    %dma_start3A_51 = tpu.memref_slice %arg5[%dma_start3A_50] : memref<3072xi32, #tpu.memory_space<vmem>> -> memref<256xi32, #tpu.memory_space<vmem>>
    %dma_start3A_52 = arith.constant 0 : i32
    %dma_start3A_53 = tpu.memref_slice %arg3[%dma_start3A_52] : memref<6291456xf32, #tpu.memory_space<hbm>> -> memref<6291456xf32, #tpu.memory_space<hbm>>
    tpu.enqueue_indirect_dma source(%dma_start3A_53 : memref<6291456xf32, #tpu.memory_space<hbm>>) target(%dma_start3A_49 : memref<256xf32, #tpu.memory_space<vmem>>) offsets(%dma_start3A_51 : memref<256xi32, #tpu.memory_space<vmem>>) semaphore(%arg9 : memref<!tpu.dma_semaphore, #tpu.memory_space<semaphore_mem>>)
    %dma_start3A_54 = arith.constant 256 : i32
    %dma_start3A_55 = tpu.memref_slice %arg6[%dma_start3A_54] : memref<3072xf32, #tpu.memory_space<vmem>> -> memref<256xf32, #tpu.memory_space<vmem>>
    %dma_start3A_56 = arith.constant 256 : i32
    %dma_start3A_57 = tpu.memref_slice %arg5[%dma_start3A_56] : memref<3072xi32, #tpu.memory_space<vmem>> -> memref<256xi32, #tpu.memory_space<vmem>>
    %dma_start3A_58 = arith.constant 0 : i32
    %dma_start3A_59 = tpu.memref_slice %arg3[%dma_start3A_58] : memref<6291456xf32, #tpu.memory_space<hbm>> -> memref<6291456xf32, #tpu.memory_space<hbm>>
    tpu.enqueue_indirect_dma source(%dma_start3A_59 : memref<6291456xf32, #tpu.memory_space<hbm>>) target(%dma_start3A_55 : memref<256xf32, #tpu.memory_space<vmem>>) offsets(%dma_start3A_57 : memref<256xi32, #tpu.memory_space<vmem>>) semaphore(%arg9 : memref<!tpu.dma_semaphore, #tpu.memory_space<semaphore_mem>>)
    %dma_start3A_60 = arith.constant 1280 : i32
    %dma_start3A_61 = tpu.memref_slice %arg6[%dma_start3A_60] : memref<3072xf32, #tpu.memory_space<vmem>> -> memref<256xf32, #tpu.memory_space<vmem>>
    %dma_start3A_62 = arith.constant 1280 : i32
    %dma_start3A_63 = tpu.memref_slice %arg5[%dma_start3A_62] : memref<3072xi32, #tpu.memory_space<vmem>> -> memref<256xi32, #tpu.memory_space<vmem>>
    %dma_start3A_64 = arith.constant 0 : i32
    %dma_start3A_65 = tpu.memref_slice %arg3[%dma_start3A_64] : memref<6291456xf32, #tpu.memory_space<hbm>> -> memref<6291456xf32, #tpu.memory_space<hbm>>
    tpu.enqueue_indirect_dma source(%dma_start3A_65 : memref<6291456xf32, #tpu.memory_space<hbm>>) target(%dma_start3A_61 : memref<256xf32, #tpu.memory_space<vmem>>) offsets(%dma_start3A_63 : memref<256xi32, #tpu.memory_space<vmem>>) semaphore(%arg9 : memref<!tpu.dma_semaphore, #tpu.memory_space<semaphore_mem>>)
    %dma_start3A_66 = arith.constant 2304 : i32
    %dma_start3A_67 = tpu.memref_slice %arg6[%dma_start3A_66] : memref<3072xf32, #tpu.memory_space<vmem>> -> memref<256xf32, #tpu.memory_space<vmem>>
    %dma_start3A_68 = arith.constant 2304 : i32
    %dma_start3A_69 = tpu.memref_slice %arg5[%dma_start3A_68] : memref<3072xi32, #tpu.memory_space<vmem>> -> memref<256xi32, #tpu.memory_space<vmem>>
    %dma_start3A_70 = arith.constant 0 : i32
    %dma_start3A_71 = tpu.memref_slice %arg3[%dma_start3A_70] : memref<6291456xf32, #tpu.memory_space<hbm>> -> memref<6291456xf32, #tpu.memory_space<hbm>>
    tpu.enqueue_indirect_dma source(%dma_start3A_71 : memref<6291456xf32, #tpu.memory_space<hbm>>) target(%dma_start3A_67 : memref<256xf32, #tpu.memory_space<vmem>>) offsets(%dma_start3A_69 : memref<256xi32, #tpu.memory_space<vmem>>) semaphore(%arg9 : memref<!tpu.dma_semaphore, #tpu.memory_space<semaphore_mem>>)
    %dma_start3A_72 = arith.constant 512 : i32
    %dma_start3A_73 = tpu.memref_slice %arg6[%dma_start3A_72] : memref<3072xf32, #tpu.memory_space<vmem>> -> memref<256xf32, #tpu.memory_space<vmem>>
    %dma_start3A_74 = arith.constant 512 : i32
    %dma_start3A_75 = tpu.memref_slice %arg5[%dma_start3A_74] : memref<3072xi32, #tpu.memory_space<vmem>> -> memref<256xi32, #tpu.memory_space<vmem>>
    %dma_start3A_76 = arith.constant 0 : i32
    %dma_start3A_77 = tpu.memref_slice %arg3[%dma_start3A_76] : memref<6291456xf32, #tpu.memory_space<hbm>> -> memref<6291456xf32, #tpu.memory_space<hbm>>
    tpu.enqueue_indirect_dma source(%dma_start3A_77 : memref<6291456xf32, #tpu.memory_space<hbm>>) target(%dma_start3A_73 : memref<256xf32, #tpu.memory_space<vmem>>) offsets(%dma_start3A_75 : memref<256xi32, #tpu.memory_space<vmem>>) semaphore(%arg9 : memref<!tpu.dma_semaphore, #tpu.memory_space<semaphore_mem>>)
    %dma_start3A_78 = arith.constant 1536 : i32
    %dma_start3A_79 = tpu.memref_slice %arg6[%dma_start3A_78] : memref<3072xf32, #tpu.memory_space<vmem>> -> memref<256xf32, #tpu.memory_space<vmem>>
    %dma_start3A_80 = arith.constant 1536 : i32
    %dma_start3A_81 = tpu.memref_slice %arg5[%dma_start3A_80] : memref<3072xi32, #tpu.memory_space<vmem>> -> memref<256xi32, #tpu.memory_space<vmem>>
    %dma_start3A_82 = arith.constant 0 : i32
    %dma_start3A_83 = tpu.memref_slice %arg3[%dma_start3A_82] : memref<6291456xf32, #tpu.memory_space<hbm>> -> memref<6291456xf32, #tpu.memory_space<hbm>>
    tpu.enqueue_indirect_dma source(%dma_start3A_83 : memref<6291456xf32, #tpu.memory_space<hbm>>) target(%dma_start3A_79 : memref<256xf32, #tpu.memory_space<vmem>>) offsets(%dma_start3A_81 : memref<256xi32, #tpu.memory_space<vmem>>) semaphore(%arg9 : memref<!tpu.dma_semaphore, #tpu.memory_space<semaphore_mem>>)
    %dma_start3A_84 = arith.constant 2560 : i32
    %dma_start3A_85 = tpu.memref_slice %arg6[%dma_start3A_84] : memref<3072xf32, #tpu.memory_space<vmem>> -> memref<256xf32, #tpu.memory_space<vmem>>
    %dma_start3A_86 = arith.constant 2560 : i32
    %dma_start3A_87 = tpu.memref_slice %arg5[%dma_start3A_86] : memref<3072xi32, #tpu.memory_space<vmem>> -> memref<256xi32, #tpu.memory_space<vmem>>
    %dma_start3A_88 = arith.constant 0 : i32
    %dma_start3A_89 = tpu.memref_slice %arg3[%dma_start3A_88] : memref<6291456xf32, #tpu.memory_space<hbm>> -> memref<6291456xf32, #tpu.memory_space<hbm>>
    tpu.enqueue_indirect_dma source(%dma_start3A_89 : memref<6291456xf32, #tpu.memory_space<hbm>>) target(%dma_start3A_85 : memref<256xf32, #tpu.memory_space<vmem>>) offsets(%dma_start3A_87 : memref<256xi32, #tpu.memory_space<vmem>>) semaphore(%arg9 : memref<!tpu.dma_semaphore, #tpu.memory_space<semaphore_mem>>)
    %dma_start3A_90 = arith.constant 768 : i32
    %dma_start3A_91 = tpu.memref_slice %arg6[%dma_start3A_90] : memref<3072xf32, #tpu.memory_space<vmem>> -> memref<256xf32, #tpu.memory_space<vmem>>
    %dma_start3A_92 = arith.constant 768 : i32
    %dma_start3A_93 = tpu.memref_slice %arg5[%dma_start3A_92] : memref<3072xi32, #tpu.memory_space<vmem>> -> memref<256xi32, #tpu.memory_space<vmem>>
    %dma_start3A_94 = arith.constant 0 : i32
    %dma_start3A_95 = tpu.memref_slice %arg3[%dma_start3A_94] : memref<6291456xf32, #tpu.memory_space<hbm>> -> memref<6291456xf32, #tpu.memory_space<hbm>>
    tpu.enqueue_indirect_dma source(%dma_start3A_95 : memref<6291456xf32, #tpu.memory_space<hbm>>) target(%dma_start3A_91 : memref<256xf32, #tpu.memory_space<vmem>>) offsets(%dma_start3A_93 : memref<256xi32, #tpu.memory_space<vmem>>) semaphore(%arg9 : memref<!tpu.dma_semaphore, #tpu.memory_space<semaphore_mem>>)
    %dma_start3A_96 = arith.constant 1792 : i32
    %dma_start3A_97 = tpu.memref_slice %arg6[%dma_start3A_96] : memref<3072xf32, #tpu.memory_space<vmem>> -> memref<256xf32, #tpu.memory_space<vmem>>
    %dma_start3A_98 = arith.constant 1792 : i32
    %dma_start3A_99 = tpu.memref_slice %arg5[%dma_start3A_98] : memref<3072xi32, #tpu.memory_space<vmem>> -> memref<256xi32, #tpu.memory_space<vmem>>
    %dma_start3A_100 = arith.constant 0 : i32
    %dma_start3A_101 = tpu.memref_slice %arg3[%dma_start3A_100] : memref<6291456xf32, #tpu.memory_space<hbm>> -> memref<6291456xf32, #tpu.memory_space<hbm>>
    tpu.enqueue_indirect_dma source(%dma_start3A_101 : memref<6291456xf32, #tpu.memory_space<hbm>>) target(%dma_start3A_97 : memref<256xf32, #tpu.memory_space<vmem>>) offsets(%dma_start3A_99 : memref<256xi32, #tpu.memory_space<vmem>>) semaphore(%arg9 : memref<!tpu.dma_semaphore, #tpu.memory_space<semaphore_mem>>)
    %dma_start3A_102 = arith.constant 2816 : i32
    %dma_start3A_103 = tpu.memref_slice %arg6[%dma_start3A_102] : memref<3072xf32, #tpu.memory_space<vmem>> -> memref<256xf32, #tpu.memory_space<vmem>>
    %dma_start3A_104 = arith.constant 2816 : i32
    %dma_start3A_105 = tpu.memref_slice %arg5[%dma_start3A_104] : memref<3072xi32, #tpu.memory_space<vmem>> -> memref<256xi32, #tpu.memory_space<vmem>>
    %dma_start3A_106 = arith.constant 0 : i32
    %dma_start3A_107 = tpu.memref_slice %arg3[%dma_start3A_106] : memref<6291456xf32, #tpu.memory_space<hbm>> -> memref<6291456xf32, #tpu.memory_space<hbm>>
    tpu.enqueue_indirect_dma source(%dma_start3A_107 : memref<6291456xf32, #tpu.memory_space<hbm>>) target(%dma_start3A_103 : memref<256xf32, #tpu.memory_space<vmem>>) offsets(%dma_start3A_105 : memref<256xi32, #tpu.memory_space<vmem>>) semaphore(%arg9 : memref<!tpu.dma_semaphore, #tpu.memory_space<semaphore_mem>>)
    %iota3A = tpu.iota {dimensions = array<i32: 0>} : vector<16xi32>
    %dma_wait3A = arith.constant 0 : i32
    %dma_wait3A_108 = tpu.memref_slice %arg6[%dma_wait3A] : memref<3072xf32, #tpu.memory_space<vmem>> -> memref<256xf32, #tpu.memory_space<vmem>>
    %dma_wait3A_109 = arith.constant 0 : i32
    %dma_wait3A_110 = tpu.memref_slice %arg5[%dma_wait3A_109] : memref<3072xi32, #tpu.memory_space<vmem>> -> memref<256xi32, #tpu.memory_space<vmem>>
    %dma_wait3A_111 = arith.constant 0 : i32
    %dma_wait3A_112 = tpu.memref_slice %arg3[%dma_wait3A_111] : memref<6291456xf32, #tpu.memory_space<hbm>> -> memref<6291456xf32, #tpu.memory_space<hbm>>
    tpu.wait_indirect_dma semaphore(%arg9 : memref<!tpu.dma_semaphore, #tpu.memory_space<semaphore_mem>>) src(%dma_wait3A_112 : memref<6291456xf32, #tpu.memory_space<hbm>>) dst(%dma_wait3A_108 : memref<256xf32, #tpu.memory_space<vmem>>)
    %dma_wait3A_113 = arith.constant 1024 : i32
    %dma_wait3A_114 = tpu.memref_slice %arg6[%dma_wait3A_113] : memref<3072xf32, #tpu.memory_space<vmem>> -> memref<256xf32, #tpu.memory_space<vmem>>
    %dma_wait3A_115 = arith.constant 1024 : i32
    %dma_wait3A_116 = tpu.memref_slice %arg5[%dma_wait3A_115] : memref<3072xi32, #tpu.memory_space<vmem>> -> memref<256xi32, #tpu.memory_space<vmem>>
    %dma_wait3A_117 = arith.constant 0 : i32
    %dma_wait3A_118 = tpu.memref_slice %arg3[%dma_wait3A_117] : memref<6291456xf32, #tpu.memory_space<hbm>> -> memref<6291456xf32, #tpu.memory_space<hbm>>
    tpu.wait_indirect_dma semaphore(%arg9 : memref<!tpu.dma_semaphore, #tpu.memory_space<semaphore_mem>>) src(%dma_wait3A_118 : memref<6291456xf32, #tpu.memory_space<hbm>>) dst(%dma_wait3A_114 : memref<256xf32, #tpu.memory_space<vmem>>)
    %dma_wait3A_119 = arith.constant 2048 : i32
    %dma_wait3A_120 = tpu.memref_slice %arg6[%dma_wait3A_119] : memref<3072xf32, #tpu.memory_space<vmem>> -> memref<256xf32, #tpu.memory_space<vmem>>
    %dma_wait3A_121 = arith.constant 2048 : i32
    %dma_wait3A_122 = tpu.memref_slice %arg5[%dma_wait3A_121] : memref<3072xi32, #tpu.memory_space<vmem>> -> memref<256xi32, #tpu.memory_space<vmem>>
    %dma_wait3A_123 = arith.constant 0 : i32
    %dma_wait3A_124 = tpu.memref_slice %arg3[%dma_wait3A_123] : memref<6291456xf32, #tpu.memory_space<hbm>> -> memref<6291456xf32, #tpu.memory_space<hbm>>
    tpu.wait_indirect_dma semaphore(%arg9 : memref<!tpu.dma_semaphore, #tpu.memory_space<semaphore_mem>>) src(%dma_wait3A_124 : memref<6291456xf32, #tpu.memory_space<hbm>>) dst(%dma_wait3A_120 : memref<256xf32, #tpu.memory_space<vmem>>)
    %scan3A = arith.constant 0 : i32
    %scan3A_125 = arith.constant 0 : i32
    %scan3A_126 = arith.constant 16 : i32
    %scan3A_127 = arith.addi %scan3A_125, %scan3A_126 : i32
    %scan3A_128 = arith.constant 1 : i32
    scf.for %scan3A_258 = %scan3A_125 to %scan3A_127 step %scan3A_128  : i32 {
      %mul3A_259 = arith.constant 16 : i32
      %mul3A_260 = arith.muli %scan3A_258, %mul3A_259 : i32
      %add3A_261 = vector.broadcast %mul3A_260 : i32 to vector<16xi32>
      %add3A_262 = arith.addi %add3A_261, %iota3A : vector<16xi32>
      %mul3A_263 = arith.constant 16 : i32
      %mul3A_264 = arith.muli %scan3A_258, %mul3A_263 : i32
      %add3A_265 = arith.constant 0 : i32
      %add3A_266 = arith.addi %add3A_265, %mul3A_264 : i32
      %get3A = arith.index_cast %add3A_266 : i32 to index
      %get3A_267 = tpu.vector_load %arg6[%get3A] {strides = array<i32>} : memref<3072xf32, #tpu.memory_space<vmem>>, vector<16xf32>,
      %broadcast_in_dim3A = arith.constant 0 : i32
      %broadcast_in_dim3A_268 = vector.broadcast %broadcast_in_dim3A : i32 to vector<16xi32>
      tpu.vector_store_idx %arg7[%add3A_262, %broadcast_in_dim3A_268], %get3A_267 : memref<256x3xf32, #tpu.memory_space<vmem>>[vector<16xi32>, vector<16xi32>], vector<16xf32>,
      %mul3A_269 = arith.constant 16 : i32
      %mul3A_270 = arith.muli %scan3A_258, %mul3A_269 : i32
      %add3A_271 = arith.constant 1024 : i32
      %add3A_272 = arith.addi %add3A_271, %mul3A_270 : i32
      %get3A_273 = arith.index_cast %add3A_272 : i32 to index
      %get3A_274 = tpu.vector_load %arg6[%get3A_273] {strides = array<i32>} : memref<3072xf32, #tpu.memory_space<vmem>>, vector<16xf32>,
      %broadcast_in_dim3A_275 = arith.constant 1 : i32
      %broadcast_in_dim3A_276 = vector.broadcast %broadcast_in_dim3A_275 : i32 to vector<16xi32>
      tpu.vector_store_idx %arg7[%add3A_262, %broadcast_in_dim3A_276], %get3A_274 : memref<256x3xf32, #tpu.memory_space<vmem>>[vector<16xi32>, vector<16xi32>], vector<16xf32>,
      %mul3A_277 = arith.constant 16 : i32
      %mul3A_278 = arith.muli %scan3A_258, %mul3A_277 : i32
      %add3A_279 = arith.constant 2048 : i32
      %add3A_280 = arith.addi %add3A_279, %mul3A_278 : i32
      %get3A_281 = arith.index_cast %add3A_280 : i32 to index
      %get3A_282 = tpu.vector_load %arg6[%get3A_281] {strides = array<i32>} : memref<3072xf32, #tpu.memory_space<vmem>>, vector<16xf32>,
      %broadcast_in_dim3A_283 = arith.constant 2 : i32
      %broadcast_in_dim3A_284 = vector.broadcast %broadcast_in_dim3A_283 : i32 to vector<16xi32>
      tpu.vector_store_idx %arg7[%add3A_262, %broadcast_in_dim3A_284], %get3A_282 : memref<256x3xf32, #tpu.memory_space<vmem>>[vector<16xi32>, vector<16xi32>], vector<16xf32>,
    }
    %scan3A_129 = arith.constant 16 : i32
    %add3A_130 = arith.constant 0 : i32
    %add3A_131 = arith.addi %mul3A_32, %add3A_130 : i32
    %dma_start3A_132 = arith.constant 0 : i32
    %dma_start3A_133 = tpu.memref_slice %arg4[%select_n3A, %add3A_131, %dma_start3A_132] : memref<8x4096x3xf32, #tpu.memory_space<hbm>> -> memref<1x256x3xf32, #tpu.memory_space<hbm>>
    %dma_start3A_134 = tpu.memref_squeeze %dma_start3A_133 : memref<1x256x3xf32, #tpu.memory_space<hbm>> -> memref<256x3xf32, #tpu.memory_space<hbm>>
    %dma_start3A_135 = arith.constant 0 : i32
    %dma_start3A_136 = tpu.memref_slice %arg4[%select_n3A, %add3A_131, %dma_start3A_135] : memref<8x4096x3xf32, #tpu.memory_space<hbm>> -> memref<1x256x3xf32, #tpu.memory_space<hbm>>
    %dma_start3A_137 = tpu.memref_squeeze %dma_start3A_136 : memref<1x256x3xf32, #tpu.memory_space<hbm>> -> memref<256x3xf32, #tpu.memory_space<hbm>>
    tpu.enqueue_dma source(%arg7 : memref<256x3xf32, #tpu.memory_space<vmem>>) target(%dma_start3A_137 : memref<256x3xf32, #tpu.memory_space<hbm>>) target_semaphore(%arg10 : memref<!tpu.dma_semaphore, #tpu.memory_space<semaphore_mem>>)
    %dma_wait3A_138 = arith.constant 256 : i32
    %dma_wait3A_139 = tpu.memref_slice %arg6[%dma_wait3A_138] : memref<3072xf32, #tpu.memory_space<vmem>> -> memref<256xf32, #tpu.memory_space<vmem>>
    %dma_wait3A_140 = arith.constant 256 : i32
    %dma_wait3A_141 = tpu.memref_slice %arg5[%dma_wait3A_140] : memref<3072xi32, #tpu.memory_space<vmem>> -> memref<256xi32, #tpu.memory_space<vmem>>
    %dma_wait3A_142 = arith.constant 0 : i32
    %dma_wait3A_143 = tpu.memref_slice %arg3[%dma_wait3A_142] : memref<6291456xf32, #tpu.memory_space<hbm>> -> memref<6291456xf32, #tpu.memory_space<hbm>>
    tpu.wait_indirect_dma semaphore(%arg9 : memref<!tpu.dma_semaphore, #tpu.memory_space<semaphore_mem>>) src(%dma_wait3A_143 : memref<6291456xf32, #tpu.memory_space<hbm>>) dst(%dma_wait3A_139 : memref<256xf32, #tpu.memory_space<vmem>>)
    %dma_wait3A_144 = arith.constant 1280 : i32
    %dma_wait3A_145 = tpu.memref_slice %arg6[%dma_wait3A_144] : memref<3072xf32, #tpu.memory_space<vmem>> -> memref<256xf32, #tpu.memory_space<vmem>>
    %dma_wait3A_146 = arith.constant 1280 : i32
    %dma_wait3A_147 = tpu.memref_slice %arg5[%dma_wait3A_146] : memref<3072xi32, #tpu.memory_space<vmem>> -> memref<256xi32, #tpu.memory_space<vmem>>
    %dma_wait3A_148 = arith.constant 0 : i32
    %dma_wait3A_149 = tpu.memref_slice %arg3[%dma_wait3A_148] : memref<6291456xf32, #tpu.memory_space<hbm>> -> memref<6291456xf32, #tpu.memory_space<hbm>>
    tpu.wait_indirect_dma semaphore(%arg9 : memref<!tpu.dma_semaphore, #tpu.memory_space<semaphore_mem>>) src(%dma_wait3A_149 : memref<6291456xf32, #tpu.memory_space<hbm>>) dst(%dma_wait3A_145 : memref<256xf32, #tpu.memory_space<vmem>>)
    %dma_wait3A_150 = arith.constant 2304 : i32
    %dma_wait3A_151 = tpu.memref_slice %arg6[%dma_wait3A_150] : memref<3072xf32, #tpu.memory_space<vmem>> -> memref<256xf32, #tpu.memory_space<vmem>>
    %dma_wait3A_152 = arith.constant 2304 : i32
    %dma_wait3A_153 = tpu.memref_slice %arg5[%dma_wait3A_152] : memref<3072xi32, #tpu.memory_space<vmem>> -> memref<256xi32, #tpu.memory_space<vmem>>
    %dma_wait3A_154 = arith.constant 0 : i32
    %dma_wait3A_155 = tpu.memref_slice %arg3[%dma_wait3A_154] : memref<6291456xf32, #tpu.memory_space<hbm>> -> memref<6291456xf32, #tpu.memory_space<hbm>>
    tpu.wait_indirect_dma semaphore(%arg9 : memref<!tpu.dma_semaphore, #tpu.memory_space<semaphore_mem>>) src(%dma_wait3A_155 : memref<6291456xf32, #tpu.memory_space<hbm>>) dst(%dma_wait3A_151 : memref<256xf32, #tpu.memory_space<vmem>>)
    %scan3A_156 = arith.constant 0 : i32
    %scan3A_157 = arith.constant 0 : i32
    %scan3A_158 = arith.constant 16 : i32
    %scan3A_159 = arith.addi %scan3A_157, %scan3A_158 : i32
    %scan3A_160 = arith.constant 1 : i32
    scf.for %scan3A_258 = %scan3A_157 to %scan3A_159 step %scan3A_160  : i32 {
      %mul3A_259 = arith.constant 16 : i32
      %mul3A_260 = arith.muli %scan3A_258, %mul3A_259 : i32
      %add3A_261 = vector.broadcast %mul3A_260 : i32 to vector<16xi32>
      %add3A_262 = arith.addi %add3A_261, %iota3A : vector<16xi32>
      %mul3A_263 = arith.constant 16 : i32
      %mul3A_264 = arith.muli %scan3A_258, %mul3A_263 : i32
      %add3A_265 = arith.constant 256 : i32
      %add3A_266 = arith.addi %add3A_265, %mul3A_264 : i32
      %get3A = arith.index_cast %add3A_266 : i32 to index
      %get3A_267 = tpu.vector_load %arg6[%get3A] {strides = array<i32>} : memref<3072xf32, #tpu.memory_space<vmem>>, vector<16xf32>,
      %broadcast_in_dim3A = arith.constant 0 : i32
      %broadcast_in_dim3A_268 = vector.broadcast %broadcast_in_dim3A : i32 to vector<16xi32>
      tpu.vector_store_idx %arg8[%add3A_262, %broadcast_in_dim3A_268], %get3A_267 : memref<256x3xf32, #tpu.memory_space<vmem>>[vector<16xi32>, vector<16xi32>], vector<16xf32>,
      %mul3A_269 = arith.constant 16 : i32
      %mul3A_270 = arith.muli %scan3A_258, %mul3A_269 : i32
      %add3A_271 = arith.constant 1280 : i32
      %add3A_272 = arith.addi %add3A_271, %mul3A_270 : i32
      %get3A_273 = arith.index_cast %add3A_272 : i32 to index
      %get3A_274 = tpu.vector_load %arg6[%get3A_273] {strides = array<i32>} : memref<3072xf32, #tpu.memory_space<vmem>>, vector<16xf32>,
      %broadcast_in_dim3A_275 = arith.constant 1 : i32
      %broadcast_in_dim3A_276 = vector.broadcast %broadcast_in_dim3A_275 : i32 to vector<16xi32>
      tpu.vector_store_idx %arg8[%add3A_262, %broadcast_in_dim3A_276], %get3A_274 : memref<256x3xf32, #tpu.memory_space<vmem>>[vector<16xi32>, vector<16xi32>], vector<16xf32>,
      %mul3A_277 = arith.constant 16 : i32
      %mul3A_278 = arith.muli %scan3A_258, %mul3A_277 : i32
      %add3A_279 = arith.constant 2304 : i32
      %add3A_280 = arith.addi %add3A_279, %mul3A_278 : i32
      %get3A_281 = arith.index_cast %add3A_280 : i32 to index
      %get3A_282 = tpu.vector_load %arg6[%get3A_281] {strides = array<i32>} : memref<3072xf32, #tpu.memory_space<vmem>>, vector<16xf32>,
      %broadcast_in_dim3A_283 = arith.constant 2 : i32
      %broadcast_in_dim3A_284 = vector.broadcast %broadcast_in_dim3A_283 : i32 to vector<16xi32>
      tpu.vector_store_idx %arg8[%add3A_262, %broadcast_in_dim3A_284], %get3A_282 : memref<256x3xf32, #tpu.memory_space<vmem>>[vector<16xi32>, vector<16xi32>], vector<16xf32>,
    }
    %scan3A_161 = arith.constant 16 : i32
    %add3A_162 = arith.constant 256 : i32
    %add3A_163 = arith.addi %mul3A_32, %add3A_162 : i32
    %dma_start3A_164 = arith.constant 0 : i32
    %dma_start3A_165 = tpu.memref_slice %arg4[%select_n3A, %add3A_163, %dma_start3A_164] : memref<8x4096x3xf32, #tpu.memory_space<hbm>> -> memref<1x256x3xf32, #tpu.memory_space<hbm>>
    %dma_start3A_166 = tpu.memref_squeeze %dma_start3A_165 : memref<1x256x3xf32, #tpu.memory_space<hbm>> -> memref<256x3xf32, #tpu.memory_space<hbm>>
    %dma_start3A_167 = arith.constant 0 : i32
    %dma_start3A_168 = tpu.memref_slice %arg4[%select_n3A, %add3A_163, %dma_start3A_167] : memref<8x4096x3xf32, #tpu.memory_space<hbm>> -> memref<1x256x3xf32, #tpu.memory_space<hbm>>
    %dma_start3A_169 = tpu.memref_squeeze %dma_start3A_168 : memref<1x256x3xf32, #tpu.memory_space<hbm>> -> memref<256x3xf32, #tpu.memory_space<hbm>>
    tpu.enqueue_dma source(%arg8 : memref<256x3xf32, #tpu.memory_space<vmem>>) target(%dma_start3A_169 : memref<256x3xf32, #tpu.memory_space<hbm>>) target_semaphore(%arg11 : memref<!tpu.dma_semaphore, #tpu.memory_space<semaphore_mem>>)
    %dma_wait3A_170 = arith.constant 0 : i32
    %dma_wait3A_171 = tpu.memref_slice %arg4[%select_n3A, %add3A_131, %dma_wait3A_170] : memref<8x4096x3xf32, #tpu.memory_space<hbm>> -> memref<1x256x3xf32, #tpu.memory_space<hbm>>
    %dma_wait3A_172 = tpu.memref_squeeze %dma_wait3A_171 : memref<1x256x3xf32, #tpu.memory_space<hbm>> -> memref<256x3xf32, #tpu.memory_space<hbm>>
    %dma_wait3A_173 = arith.constant 0 : i32
    %dma_wait3A_174 = tpu.memref_slice %arg4[%select_n3A, %add3A_131, %dma_wait3A_173] : memref<8x4096x3xf32, #tpu.memory_space<hbm>> -> memref<1x256x3xf32, #tpu.memory_space<hbm>>
    %dma_wait3A_175 = tpu.memref_squeeze %dma_wait3A_174 : memref<1x256x3xf32, #tpu.memory_space<hbm>> -> memref<256x3xf32, #tpu.memory_space<hbm>>
    tpu.wait_dma2 semaphore(%arg10 : memref<!tpu.dma_semaphore, #tpu.memory_space<semaphore_mem>>) src(%arg7 : memref<256x3xf32, #tpu.memory_space<vmem>>) dst(%dma_wait3A_175 : memref<256x3xf32, #tpu.memory_space<hbm>>)
    %dma_wait3A_176 = arith.constant 512 : i32
    %dma_wait3A_177 = tpu.memref_slice %arg6[%dma_wait3A_176] : memref<3072xf32, #tpu.memory_space<vmem>> -> memref<256xf32, #tpu.memory_space<vmem>>
    %dma_wait3A_178 = arith.constant 512 : i32
    %dma_wait3A_179 = tpu.memref_slice %arg5[%dma_wait3A_178] : memref<3072xi32, #tpu.memory_space<vmem>> -> memref<256xi32, #tpu.memory_space<vmem>>
    %dma_wait3A_180 = arith.constant 0 : i32
    %dma_wait3A_181 = tpu.memref_slice %arg3[%dma_wait3A_180] : memref<6291456xf32, #tpu.memory_space<hbm>> -> memref<6291456xf32, #tpu.memory_space<hbm>>
    tpu.wait_indirect_dma semaphore(%arg9 : memref<!tpu.dma_semaphore, #tpu.memory_space<semaphore_mem>>) src(%dma_wait3A_181 : memref<6291456xf32, #tpu.memory_space<hbm>>) dst(%dma_wait3A_177 : memref<256xf32, #tpu.memory_space<vmem>>)
    %dma_wait3A_182 = arith.constant 1536 : i32
    %dma_wait3A_183 = tpu.memref_slice %arg6[%dma_wait3A_182] : memref<3072xf32, #tpu.memory_space<vmem>> -> memref<256xf32, #tpu.memory_space<vmem>>
    %dma_wait3A_184 = arith.constant 1536 : i32
    %dma_wait3A_185 = tpu.memref_slice %arg5[%dma_wait3A_184] : memref<3072xi32, #tpu.memory_space<vmem>> -> memref<256xi32, #tpu.memory_space<vmem>>
    %dma_wait3A_186 = arith.constant 0 : i32
    %dma_wait3A_187 = tpu.memref_slice %arg3[%dma_wait3A_186] : memref<6291456xf32, #tpu.memory_space<hbm>> -> memref<6291456xf32, #tpu.memory_space<hbm>>
    tpu.wait_indirect_dma semaphore(%arg9 : memref<!tpu.dma_semaphore, #tpu.memory_space<semaphore_mem>>) src(%dma_wait3A_187 : memref<6291456xf32, #tpu.memory_space<hbm>>) dst(%dma_wait3A_183 : memref<256xf32, #tpu.memory_space<vmem>>)
    %dma_wait3A_188 = arith.constant 2560 : i32
    %dma_wait3A_189 = tpu.memref_slice %arg6[%dma_wait3A_188] : memref<3072xf32, #tpu.memory_space<vmem>> -> memref<256xf32, #tpu.memory_space<vmem>>
    %dma_wait3A_190 = arith.constant 2560 : i32
    %dma_wait3A_191 = tpu.memref_slice %arg5[%dma_wait3A_190] : memref<3072xi32, #tpu.memory_space<vmem>> -> memref<256xi32, #tpu.memory_space<vmem>>
    %dma_wait3A_192 = arith.constant 0 : i32
    %dma_wait3A_193 = tpu.memref_slice %arg3[%dma_wait3A_192] : memref<6291456xf32, #tpu.memory_space<hbm>> -> memref<6291456xf32, #tpu.memory_space<hbm>>
    tpu.wait_indirect_dma semaphore(%arg9 : memref<!tpu.dma_semaphore, #tpu.memory_space<semaphore_mem>>) src(%dma_wait3A_193 : memref<6291456xf32, #tpu.memory_space<hbm>>) dst(%dma_wait3A_189 : memref<256xf32, #tpu.memory_space<vmem>>)
    %scan3A_194 = arith.constant 0 : i32
    %scan3A_195 = arith.constant 0 : i32
    %scan3A_196 = arith.constant 16 : i32
    %scan3A_197 = arith.addi %scan3A_195, %scan3A_196 : i32
    %scan3A_198 = arith.constant 1 : i32
    scf.for %scan3A_258 = %scan3A_195 to %scan3A_197 step %scan3A_198  : i32 {
      %mul3A_259 = arith.constant 16 : i32
      %mul3A_260 = arith.muli %scan3A_258, %mul3A_259 : i32
      %add3A_261 = vector.broadcast %mul3A_260 : i32 to vector<16xi32>
      %add3A_262 = arith.addi %add3A_261, %iota3A : vector<16xi32>
      %mul3A_263 = arith.constant 16 : i32
      %mul3A_264 = arith.muli %scan3A_258, %mul3A_263 : i32
      %add3A_265 = arith.constant 512 : i32
      %add3A_266 = arith.addi %add3A_265, %mul3A_264 : i32
      %get3A = arith.index_cast %add3A_266 : i32 to index
      %get3A_267 = tpu.vector_load %arg6[%get3A] {strides = array<i32>} : memref<3072xf32, #tpu.memory_space<vmem>>, vector<16xf32>,
      %broadcast_in_dim3A = arith.constant 0 : i32
      %broadcast_in_dim3A_268 = vector.broadcast %broadcast_in_dim3A : i32 to vector<16xi32>
      tpu.vector_store_idx %arg7[%add3A_262, %broadcast_in_dim3A_268], %get3A_267 : memref<256x3xf32, #tpu.memory_space<vmem>>[vector<16xi32>, vector<16xi32>], vector<16xf32>,
      %mul3A_269 = arith.constant 16 : i32
      %mul3A_270 = arith.muli %scan3A_258, %mul3A_269 : i32
      %add3A_271 = arith.constant 1536 : i32
      %add3A_272 = arith.addi %add3A_271, %mul3A_270 : i32
      %get3A_273 = arith.index_cast %add3A_272 : i32 to index
      %get3A_274 = tpu.vector_load %arg6[%get3A_273] {strides = array<i32>} : memref<3072xf32, #tpu.memory_space<vmem>>, vector<16xf32>,
      %broadcast_in_dim3A_275 = arith.constant 1 : i32
      %broadcast_in_dim3A_276 = vector.broadcast %broadcast_in_dim3A_275 : i32 to vector<16xi32>
      tpu.vector_store_idx %arg7[%add3A_262, %broadcast_in_dim3A_276], %get3A_274 : memref<256x3xf32, #tpu.memory_space<vmem>>[vector<16xi32>, vector<16xi32>], vector<16xf32>,
      %mul3A_277 = arith.constant 16 : i32
      %mul3A_278 = arith.muli %scan3A_258, %mul3A_277 : i32
      %add3A_279 = arith.constant 2560 : i32
      %add3A_280 = arith.addi %add3A_279, %mul3A_278 : i32
      %get3A_281 = arith.index_cast %add3A_280 : i32 to index
      %get3A_282 = tpu.vector_load %arg6[%get3A_281] {strides = array<i32>} : memref<3072xf32, #tpu.memory_space<vmem>>, vector<16xf32>,
      %broadcast_in_dim3A_283 = arith.constant 2 : i32
      %broadcast_in_dim3A_284 = vector.broadcast %broadcast_in_dim3A_283 : i32 to vector<16xi32>
      tpu.vector_store_idx %arg7[%add3A_262, %broadcast_in_dim3A_284], %get3A_282 : memref<256x3xf32, #tpu.memory_space<vmem>>[vector<16xi32>, vector<16xi32>], vector<16xf32>,
    }
    %scan3A_199 = arith.constant 16 : i32
    %add3A_200 = arith.constant 512 : i32
    %add3A_201 = arith.addi %mul3A_32, %add3A_200 : i32
    %dma_start3A_202 = arith.constant 0 : i32
    %dma_start3A_203 = tpu.memref_slice %arg4[%select_n3A, %add3A_201, %dma_start3A_202] : memref<8x4096x3xf32, #tpu.memory_space<hbm>> -> memref<1x256x3xf32, #tpu.memory_space<hbm>>
    %dma_start3A_204 = tpu.memref_squeeze %dma_start3A_203 : memref<1x256x3xf32, #tpu.memory_space<hbm>> -> memref<256x3xf32, #tpu.memory_space<hbm>>
    %dma_start3A_205 = arith.constant 0 : i32
    %dma_start3A_206 = tpu.memref_slice %arg4[%select_n3A, %add3A_201, %dma_start3A_205] : memref<8x4096x3xf32, #tpu.memory_space<hbm>> -> memref<1x256x3xf32, #tpu.memory_space<hbm>>
    %dma_start3A_207 = tpu.memref_squeeze %dma_start3A_206 : memref<1x256x3xf32, #tpu.memory_space<hbm>> -> memref<256x3xf32, #tpu.memory_space<hbm>>
    tpu.enqueue_dma source(%arg7 : memref<256x3xf32, #tpu.memory_space<vmem>>) target(%dma_start3A_207 : memref<256x3xf32, #tpu.memory_space<hbm>>) target_semaphore(%arg10 : memref<!tpu.dma_semaphore, #tpu.memory_space<semaphore_mem>>)
    %dma_wait3A_208 = arith.constant 0 : i32
    %dma_wait3A_209 = tpu.memref_slice %arg4[%select_n3A, %add3A_163, %dma_wait3A_208] : memref<8x4096x3xf32, #tpu.memory_space<hbm>> -> memref<1x256x3xf32, #tpu.memory_space<hbm>>
    %dma_wait3A_210 = tpu.memref_squeeze %dma_wait3A_209 : memref<1x256x3xf32, #tpu.memory_space<hbm>> -> memref<256x3xf32, #tpu.memory_space<hbm>>
    %dma_wait3A_211 = arith.constant 0 : i32
    %dma_wait3A_212 = tpu.memref_slice %arg4[%select_n3A, %add3A_163, %dma_wait3A_211] : memref<8x4096x3xf32, #tpu.memory_space<hbm>> -> memref<1x256x3xf32, #tpu.memory_space<hbm>>
    %dma_wait3A_213 = tpu.memref_squeeze %dma_wait3A_212 : memref<1x256x3xf32, #tpu.memory_space<hbm>> -> memref<256x3xf32, #tpu.memory_space<hbm>>
    tpu.wait_dma2 semaphore(%arg11 : memref<!tpu.dma_semaphore, #tpu.memory_space<semaphore_mem>>) src(%arg8 : memref<256x3xf32, #tpu.memory_space<vmem>>) dst(%dma_wait3A_213 : memref<256x3xf32, #tpu.memory_space<hbm>>)
    %dma_wait3A_214 = arith.constant 768 : i32
    %dma_wait3A_215 = tpu.memref_slice %arg6[%dma_wait3A_214] : memref<3072xf32, #tpu.memory_space<vmem>> -> memref<256xf32, #tpu.memory_space<vmem>>
    %dma_wait3A_216 = arith.constant 768 : i32
    %dma_wait3A_217 = tpu.memref_slice %arg5[%dma_wait3A_216] : memref<3072xi32, #tpu.memory_space<vmem>> -> memref<256xi32, #tpu.memory_space<vmem>>
    %dma_wait3A_218 = arith.constant 0 : i32
    %dma_wait3A_219 = tpu.memref_slice %arg3[%dma_wait3A_218] : memref<6291456xf32, #tpu.memory_space<hbm>> -> memref<6291456xf32, #tpu.memory_space<hbm>>
    tpu.wait_indirect_dma semaphore(%arg9 : memref<!tpu.dma_semaphore, #tpu.memory_space<semaphore_mem>>) src(%dma_wait3A_219 : memref<6291456xf32, #tpu.memory_space<hbm>>) dst(%dma_wait3A_215 : memref<256xf32, #tpu.memory_space<vmem>>)
    %dma_wait3A_220 = arith.constant 1792 : i32
    %dma_wait3A_221 = tpu.memref_slice %arg6[%dma_wait3A_220] : memref<3072xf32, #tpu.memory_space<vmem>> -> memref<256xf32, #tpu.memory_space<vmem>>
    %dma_wait3A_222 = arith.constant 1792 : i32
    %dma_wait3A_223 = tpu.memref_slice %arg5[%dma_wait3A_222] : memref<3072xi32, #tpu.memory_space<vmem>> -> memref<256xi32, #tpu.memory_space<vmem>>
    %dma_wait3A_224 = arith.constant 0 : i32
    %dma_wait3A_225 = tpu.memref_slice %arg3[%dma_wait3A_224] : memref<6291456xf32, #tpu.memory_space<hbm>> -> memref<6291456xf32, #tpu.memory_space<hbm>>
    tpu.wait_indirect_dma semaphore(%arg9 : memref<!tpu.dma_semaphore, #tpu.memory_space<semaphore_mem>>) src(%dma_wait3A_225 : memref<6291456xf32, #tpu.memory_space<hbm>>) dst(%dma_wait3A_221 : memref<256xf32, #tpu.memory_space<vmem>>)
    %dma_wait3A_226 = arith.constant 2816 : i32
    %dma_wait3A_227 = tpu.memref_slice %arg6[%dma_wait3A_226] : memref<3072xf32, #tpu.memory_space<vmem>> -> memref<256xf32, #tpu.memory_space<vmem>>
    %dma_wait3A_228 = arith.constant 2816 : i32
    %dma_wait3A_229 = tpu.memref_slice %arg5[%dma_wait3A_228] : memref<3072xi32, #tpu.memory_space<vmem>> -> memref<256xi32, #tpu.memory_space<vmem>>
    %dma_wait3A_230 = arith.constant 0 : i32
    %dma_wait3A_231 = tpu.memref_slice %arg3[%dma_wait3A_230] : memref<6291456xf32, #tpu.memory_space<hbm>> -> memref<6291456xf32, #tpu.memory_space<hbm>>
    tpu.wait_indirect_dma semaphore(%arg9 : memref<!tpu.dma_semaphore, #tpu.memory_space<semaphore_mem>>) src(%dma_wait3A_231 : memref<6291456xf32, #tpu.memory_space<hbm>>) dst(%dma_wait3A_227 : memref<256xf32, #tpu.memory_space<vmem>>)
    %scan3A_232 = arith.constant 0 : i32
    %scan3A_233 = arith.constant 0 : i32
    %scan3A_234 = arith.constant 16 : i32
    %scan3A_235 = arith.addi %scan3A_233, %scan3A_234 : i32
    %scan3A_236 = arith.constant 1 : i32
    scf.for %scan3A_258 = %scan3A_233 to %scan3A_235 step %scan3A_236  : i32 {
      %mul3A_259 = arith.constant 16 : i32
      %mul3A_260 = arith.muli %scan3A_258, %mul3A_259 : i32
      %add3A_261 = vector.broadcast %mul3A_260 : i32 to vector<16xi32>
      %add3A_262 = arith.addi %add3A_261, %iota3A : vector<16xi32>
      %mul3A_263 = arith.constant 16 : i32
      %mul3A_264 = arith.muli %scan3A_258, %mul3A_263 : i32
      %add3A_265 = arith.constant 768 : i32
      %add3A_266 = arith.addi %add3A_265, %mul3A_264 : i32
      %get3A = arith.index_cast %add3A_266 : i32 to index
      %get3A_267 = tpu.vector_load %arg6[%get3A] {strides = array<i32>} : memref<3072xf32, #tpu.memory_space<vmem>>, vector<16xf32>,
      %broadcast_in_dim3A = arith.constant 0 : i32
      %broadcast_in_dim3A_268 = vector.broadcast %broadcast_in_dim3A : i32 to vector<16xi32>
      tpu.vector_store_idx %arg8[%add3A_262, %broadcast_in_dim3A_268], %get3A_267 : memref<256x3xf32, #tpu.memory_space<vmem>>[vector<16xi32>, vector<16xi32>], vector<16xf32>,
      %mul3A_269 = arith.constant 16 : i32
      %mul3A_270 = arith.muli %scan3A_258, %mul3A_269 : i32
      %add3A_271 = arith.constant 1792 : i32
      %add3A_272 = arith.addi %add3A_271, %mul3A_270 : i32
      %get3A_273 = arith.index_cast %add3A_272 : i32 to index
      %get3A_274 = tpu.vector_load %arg6[%get3A_273] {strides = array<i32>} : memref<3072xf32, #tpu.memory_space<vmem>>, vector<16xf32>,
      %broadcast_in_dim3A_275 = arith.constant 1 : i32
      %broadcast_in_dim3A_276 = vector.broadcast %broadcast_in_dim3A_275 : i32 to vector<16xi32>
      tpu.vector_store_idx %arg8[%add3A_262, %broadcast_in_dim3A_276], %get3A_274 : memref<256x3xf32, #tpu.memory_space<vmem>>[vector<16xi32>, vector<16xi32>], vector<16xf32>,
      %mul3A_277 = arith.constant 16 : i32
      %mul3A_278 = arith.muli %scan3A_258, %mul3A_277 : i32
      %add3A_279 = arith.constant 2816 : i32
      %add3A_280 = arith.addi %add3A_279, %mul3A_278 : i32
      %get3A_281 = arith.index_cast %add3A_280 : i32 to index
      %get3A_282 = tpu.vector_load %arg6[%get3A_281] {strides = array<i32>} : memref<3072xf32, #tpu.memory_space<vmem>>, vector<16xf32>,
      %broadcast_in_dim3A_283 = arith.constant 2 : i32
      %broadcast_in_dim3A_284 = vector.broadcast %broadcast_in_dim3A_283 : i32 to vector<16xi32>
      tpu.vector_store_idx %arg8[%add3A_262, %broadcast_in_dim3A_284], %get3A_282 : memref<256x3xf32, #tpu.memory_space<vmem>>[vector<16xi32>, vector<16xi32>], vector<16xf32>,
    }
    %scan3A_237 = arith.constant 16 : i32
    %add3A_238 = arith.constant 768 : i32
    %add3A_239 = arith.addi %mul3A_32, %add3A_238 : i32
    %dma_start3A_240 = arith.constant 0 : i32
    %dma_start3A_241 = tpu.memref_slice %arg4[%select_n3A, %add3A_239, %dma_start3A_240] : memref<8x4096x3xf32, #tpu.memory_space<hbm>> -> memref<1x256x3xf32, #tpu.memory_space<hbm>>
    %dma_start3A_242 = tpu.memref_squeeze %dma_start3A_241 : memref<1x256x3xf32, #tpu.memory_space<hbm>> -> memref<256x3xf32, #tpu.memory_space<hbm>>
    %dma_start3A_243 = arith.constant 0 : i32
    %dma_start3A_244 = tpu.memref_slice %arg4[%select_n3A, %add3A_239, %dma_start3A_243] : memref<8x4096x3xf32, #tpu.memory_space<hbm>> -> memref<1x256x3xf32, #tpu.memory_space<hbm>>
    %dma_start3A_245 = tpu.memref_squeeze %dma_start3A_244 : memref<1x256x3xf32, #tpu.memory_space<hbm>> -> memref<256x3xf32, #tpu.memory_space<hbm>>
    tpu.enqueue_dma source(%arg8 : memref<256x3xf32, #tpu.memory_space<vmem>>) target(%dma_start3A_245 : memref<256x3xf32, #tpu.memory_space<hbm>>) target_semaphore(%arg11 : memref<!tpu.dma_semaphore, #tpu.memory_space<semaphore_mem>>)
    %dma_wait3A_246 = arith.constant 0 : i32
    %dma_wait3A_247 = tpu.memref_slice %arg4[%select_n3A, %add3A_201, %dma_wait3A_246] : memref<8x4096x3xf32, #tpu.memory_space<hbm>> -> memref<1x256x3xf32, #tpu.memory_space<hbm>>
    %dma_wait3A_248 = tpu.memref_squeeze %dma_wait3A_247 : memref<1x256x3xf32, #tpu.memory_space<hbm>> -> memref<256x3xf32, #tpu.memory_space<hbm>>
    %dma_wait3A_249 = arith.constant 0 : i32
    %dma_wait3A_250 = tpu.memref_slice %arg4[%select_n3A, %add3A_201, %dma_wait3A_249] : memref<8x4096x3xf32, #tpu.memory_space<hbm>> -> memref<1x256x3xf32, #tpu.memory_space<hbm>>
    %dma_wait3A_251 = tpu.memref_squeeze %dma_wait3A_250 : memref<1x256x3xf32, #tpu.memory_space<hbm>> -> memref<256x3xf32, #tpu.memory_space<hbm>>
    tpu.wait_dma2 semaphore(%arg10 : memref<!tpu.dma_semaphore, #tpu.memory_space<semaphore_mem>>) src(%arg7 : memref<256x3xf32, #tpu.memory_space<vmem>>) dst(%dma_wait3A_251 : memref<256x3xf32, #tpu.memory_space<hbm>>)
    %dma_wait3A_252 = arith.constant 0 : i32
    %dma_wait3A_253 = tpu.memref_slice %arg4[%select_n3A, %add3A_239, %dma_wait3A_252] : memref<8x4096x3xf32, #tpu.memory_space<hbm>> -> memref<1x256x3xf32, #tpu.memory_space<hbm>>
    %dma_wait3A_254 = tpu.memref_squeeze %dma_wait3A_253 : memref<1x256x3xf32, #tpu.memory_space<hbm>> -> memref<256x3xf32, #tpu.memory_space<hbm>>
    %dma_wait3A_255 = arith.constant 0 : i32
    %dma_wait3A_256 = tpu.memref_slice %arg4[%select_n3A, %add3A_239, %dma_wait3A_255] : memref<8x4096x3xf32, #tpu.memory_space<hbm>> -> memref<1x256x3xf32, #tpu.memory_space<hbm>>
    %dma_wait3A_257 = tpu.memref_squeeze %dma_wait3A_256 : memref<1x256x3xf32, #tpu.memory_space<hbm>> -> memref<256x3xf32, #tpu.memory_space<hbm>>
    tpu.wait_dma2 semaphore(%arg11 : memref<!tpu.dma_semaphore, #tpu.memory_space<semaphore_mem>>) src(%arg8 : memref<256x3xf32, #tpu.memory_space<vmem>>) dst(%dma_wait3A_257 : memref<256x3xf32, #tpu.memory_space<hbm>>)
    return
  }
}

</mosaic_0001>

<sc_bundles>
// kernel: kernel.4.cloned.1.call-start
scs
__scs_entry_jumppad:
0x0: {  	(pc) =	sbr.rel $0x88, $3  }
0x1: {  	(tag) =	ssettag $0x0;
	lr =	simm.s32 $0x1  }
0x2: {  	[smem:$0x3F9E] =	sst lr;
	_ =	strace $0xD0000000  }
0x3: {  	_ = 	snop  }
0x4: {  	_ = 	snop  }
0x5: {  	_ = 	snop  }
0x6: {  	_ = 	snop  }
0x7: {  	_ = 	snop  }
__scs_overlays_trampoline_lowered:
0x8: {  	[smem:$0x3FAD] =	sst s0  }
0x9: {  	[smem:$0x3FAE] =	sst s1  }
0xa: {  	[smem:$0x3FAF] =	sst s2  }
0xb: {  	[smem:$0x3FB0] =	sst s3  }
0xc: {  	[smem:$0x3FB1] =	sst s4  }
0xd: {  	[smem:$0x3FB2] =	sst s5  }
0xe: {  	[smem:$0x3FB3] =	sst s6  }
0xf: {  	[smem:$0x3FB4] =	sst s7  }
0x10: {  	[smem:$0x3FB5] =	sst s8  }
0x11: {  	[smem:$0x3FB6] =	sst s9;
	s0 =	simm.s32 @!p0 $0x0  }
0x12: {  	s1 =	sld [smem:$0x3F9C];
	s0 =	simm.s32 @p0 $0x1  }
0x13: {  	[smem:$0x3FB7] =	sst s0;
	s0 =	simm.s32 @!p1 $0x0  }
0x14: {  	s2 =	sld [smem:$0x3F9B];
	s0 =	simm.s32 @p1 $0x1  }
0x15: {  	[smem:$0x3FB8] =	sst s0;
	s0 =	simm.s32 @!p2 $0x0  }
0x16: {  	s3 =	sld [smem:$0x3FDB];
	s0 =	simm.s32 @p2 $0x1  }
0x17: {  	s4 =	simm.s32 $0x1BF5;
	[smem:$0x3FBA] =	sst s0  }
0x18: {  	s0 =	sld [smem:$0x3F9D];
	_ =	swait.ge [sflag:s4], $0x0  }
0x19: {  	s7 =	sld [smem:$0x3F9E]  }
0x1a: {  	s8 =	sadd.s32 $0xFFFFE003, lr  }
0x1b: {  	s9 =	sadd.s32 $0xFFFFFEF7, lr;
	s5 =	simm.s32 $0xFFFFFFFF;
	p2 =	slt.u32 s8, $0xFFFFF086  }
0x1c: {  	p1 =	slt.u32 s9, $0xF7A;
	s5 =	simm.s32 @!p2 $0x0  }
0x1d: {  	s5 =	simm.s32 @p1 $0x1;
	p0 =	seq.s32 s7, s2  }
0x1e: {  	s7 =	smul.u32 @!p0 $0xF7A, s2;
	p2 =	seq.s32 @!p0 s5, $0x0  }
0x1f: {  	s9 =	smul.u32 $0xF7A, s1;
	s8 =	simm.s32 @!p0 $0x1BF5;
	p2 =	por !p2, p0  }
0x20: {  	[sflag:s8] =	ssyncset.s32 @!p0 $0xFFFFF086;
	s6 =	sadd.s32 @!p0 s3, s7;
	s7 =	simm.s32 @!p0 $0x108  }
0x21: {  	s3 =	sadd.s32 s3, s9;
	s6 =	sadd.s32 @!p0 $0x88, s6;
	s7 =	simm.s32 @p2 $0x1082  }
0x22: {  	[simem:s7], [sflag:s8] =	dma.local @!p0 [hbm:s6], $0xF7A  }
0x23: {  	s9 =	sor.u32 $0xD0000000, s2;
	s6 =	simm.s32 $0x108;
	_ =	swait.ge @!p0 [sflag:s8], $0x0  }
0x24: {  	s3 =	sadd.s32 $0x88, s3;
	s6 =	simm.s32 @!p1 $0x1082;
	[sflag:s4] =	ssyncset.s32 $0xFFFFF086  }
0x25: {  	[simem:s6], [sflag:s4] =	dma.local [hbm:s3], $0xF7A  }
0x26: {  	[smem:$0x3F9E] =	sst s1;
	(tag) =	ssettag s2;
	_ =	strace s9  }
0x27: {  	s1 =	sld [smem:$0x3FAE]  }
0x28: {  	s2 =	sld [smem:$0x3FAF]  }
0x29: {  	s4 =	sld [smem:$0x3FB1]  }
0x2a: {  	p0 =	seq.s32 s5, $0x0;
	s5 =	sld [smem:$0x3FB2]  }
0x2b: {  	s6 =	sld [smem:$0x3FB3]  }
0x2c: {  	s7 =	sld [smem:$0x3FB4]  }
0x2d: {  	s3 =	simm.s32 $0x108;
	s8 =	sld [smem:$0x3FB5]  }
0x2e: {  	s3 =	simm.s32 @!p0 $0x1082;
	s9 =	sld [smem:$0x3FB6]  }
0x2f: {  	lr =	sadd.s32 s0, s3;
	s0 =	sld [smem:$0x3FAD]  }
0x30: {  	s3 =	sld [smem:$0x3FB0]  }
0x31: {  	[smem:$0x3FB9] =	sst s10  }
0x32: {  	s10 =	sld [smem:$0x3FB7];
	_ =	sdelay $0x3  }
0x33: {  	p0 =	seq.s32 s10, $0x1;
	s10 =	sld [smem:$0x3FB9];
	_ =	sdelay $0x3  }
0x34: {  	[smem:$0x3FB9] =	sst s10  }
0x35: {  	s10 =	sld [smem:$0x3FB8];
	_ =	sdelay $0x3  }
0x36: {  	p1 =	seq.s32 s10, $0x1;
	s10 =	sld [smem:$0x3FB9];
	_ =	sdelay $0x3  }
0x37: {  	[smem:$0x3FB9] =	sst s10  }
0x38: {  	s10 =	sld [smem:$0x3FBA]  }
0x39: {  	_ = 	snop;
	(pc) =	sbr.ind lr, $3  }
0x3a: {  	_ = 	snop  }
0x3b: {  	_ = 	snop  }
0x3c: {  	p2 =	seq.s32 s10, $0x1;
	s10 =	sld [smem:$0x3FB9]  }
0x3d: {  	_ =	shalt  }
0x3e: {  	_ =	shalt  }
0x3f: {  	_ =	shalt  }
0x40: {  	_ =	shalt  }
0x41: {  	_ =	shalt  }
0x42: {  	_ =	shalt  }
0x43: {  	_ =	shalt  }
0x44: {  	_ =	shalt  }
0x45: {  	_ =	shalt  }
0x46: {  	_ =	shalt  }
0x47: {  	_ =	shalt  }
0x48: {  	_ =	shalt  }
0x49: {  	_ =	shalt  }
0x4a: {  	_ =	shalt  }
0x4b: {  	_ =	shalt  }
0x4c: {  	_ =	shalt  }
0x4d: {  	_ =	shalt  }
0x4e: {  	_ =	shalt  }
0x4f: {  	_ =	shalt  }
0x50: {  	_ =	shalt  }
0x51: {  	_ =	shalt  }
0x52: {  	_ =	shalt  }
0x53: {  	_ =	shalt  }
0x54: {  	_ =	shalt  }
0x55: {  	_ =	shalt  }
0x56: {  	_ =	shalt  }
0x57: {  	_ =	shalt  }
0x58: {  	_ =	shalt  }
0x59: {  	_ =	shalt  }
0x5a: {  	_ =	shalt  }
0x5b: {  	_ =	shalt  }
0x5c: {  	_ =	shalt  }
0x5d: {  	_ =	shalt  }
0x5e: {  	_ =	shalt  }
0x5f: {  	_ =	shalt  }
0x60: {  	_ =	shalt  }
0x61: {  	_ =	shalt  }
0x62: {  	_ =	shalt  }
0x63: {  	_ =	shalt  }
0x64: {  	_ =	shalt  }
0x65: {  	_ =	shalt  }
0x66: {  	_ =	shalt  }
0x67: {  	_ =	shalt  }
0x68: {  	_ =	shalt  }
0x69: {  	_ =	shalt  }
0x6a: {  	_ =	shalt  }
0x6b: {  	_ =	shalt  }
0x6c: {  	_ =	shalt  }
0x6d: {  	_ =	shalt  }
0x6e: {  	_ =	shalt  }
0x6f: {  	_ =	shalt  }
0x70: {  	_ =	shalt  }
0x71: {  	_ =	shalt  }
0x72: {  	_ =	shalt  }
0x73: {  	_ =	shalt  }
0x74: {  	_ =	shalt  }
0x75: {  	_ =	shalt  }
0x76: {  	_ =	shalt  }
0x77: {  	_ =	shalt  }
0x78: {  	_ =	shalt  }
0x79: {  	_ =	shalt  }
0x7a: {  	_ =	shalt  }
0x7b: {  	_ =	shalt  }
0x7c: {  	_ =	shalt  }
0x7d: {  	_ =	shalt  }
0x7e: {  	_ =	shalt  }
0x7f: {  	_ =	shalt  }
0x80: {  	_ =	shalt  }
0x81: {  	_ =	shalt  }
0x82: {  	_ =	shalt  }
0x83: {  	_ =	shalt  }
0x84: {  	_ =	shalt  }
0x85: {  	_ =	shalt  }
0x86: {  	_ =	shalt  }
0x87: {  	_ =	shalt  }
.Lfunc_end0:
.L_simem_size_0:
called_computation_lowered:
.L_overlay_start_0:
0x88: {  	s2 =	sld [smem:$0x3FD9]  }
0x89: {  	s3 =	sld [smem:$0x3FFE];
	_ =	sdelay $0x1  }
0x8a: {  	s1 =	srdreg.scid  }
0x8b: {  	s0 =	sand.u32 $0x1, s1  }
0x8c: {  	s14 =	sshll.u32 s0, $0xA;
	s2 =	sadd.s32 s3, s2  }
0x8d: {  	s2 =	sadd.s32 s2, s14  }
0x8e: {  	[smem:$0x3FC5] =	sst s2  }
0x8f: {  	_ = 	snop  }
0x90: {  	s2 =	sld [smem:$0x3FD0];
	_ =	sdelay $0x2  }
0x91: {  	s4 =	simm.s32 $0xA;
	s5 =	simm.s32 $0x10;
	s15 =	sld [smem:$0x3FC8]  }
0x92: {  	[smem:s5], [sflag:s4] =	dma.local [hbm:s2], $0x1  }
0x93: {  	_ =	swait.eq [sflag:s4], $0x1  }
0x94: {  	[sflag:s4] =	ssyncset.done $0x0  }
0x95: {  	s16 =	sld [smem:$0x11];
	[sflag:s4] =	ssyncadd.s32 $0xFFFFFFFF  }
0x96: {  	s17 =	sld [smem:$0x13];
	(tm) =	ssettm $0x1  }
0x97: {  	s18 =	sld [smem:$0x3FFB];
	_ =	sdelay $0x3  }
0x98: {  	_ =	strace s18  }
0x99: {  	s5 =	sld [smem:$0x3FFC];
	_ =	sdelay $0x3  }
0x9a: {  	_ =	strace s5  }
0x9b: {  	s5 =	sld [smem:$0x3FFD];
	_ =	sdelay $0x3  }
0x9c: {  	_ =	strace s5  }
0x9d: {  	_ =	strace $0x8FFFFFFF  }
0x9e: {  	s19 =	sld [smem:$0x3FDB];
	_ =	sdelay $0x1  }
0x9f: {  	s6 =	simm.s32 $_scs_section_size  }
0xa0: {  	s7 =	simm.s32 $_size__tile_overlayer_lowered;
	s8 =	simm.s32 $_tile_overlayer_lowered  }
0xa1: {  	s22 =	simm.s32 $0x1BFF;
	s21 =	sshll.u32 s8, $0x1;
	s5 =	sadd.s32 s6, s19  }
0xa2: {  	s9 =	simm.s32 $0x0;
	s20 =	sshll.u32 s7, $0x1;
	s7 =	sadd.s32 s21, s5  }
0xa3: {  	[timem:s9], [sflag:s22] =	dma.local [hbm:s7], s20  }
0xa4: {  	_ =	swait.ge [sflag:s22], s20  }
0xa5: {  	s6 =	ssub.s32 $0x0, s20;
	[sflag:s22] =	ssyncset.done $0x0  }
0xa6: {  	[sflag:s22] =	ssyncadd.s32 s6;
	_ =	sdelay $0x1  }
0xa7: {  	s23 =	simm.s32 $0x1B8B  }
0xa8: {  	_ =	swait.ge [sflag:s23], $0x1  }
0xa9: {  	[sflag:s23] =	ssyncset.done $0x0  }
0xaa: {  	s25 =	simm.s32 $0x1B8E;
	s24 =	sld [smem:$0x3FFE];
	[sflag:s23] =	ssyncadd.s32 $0xFFFFFFFF  }
0xab: {  	s26 =	simm.s32 $execute0_lowered;
	[smem:$0x3FD2] =	sst s25  }
0xac: {  	s7 =	sshll.u32 s26, $0x1;
	_ =	strace $0x80000046;
	[dreg:$0x1] =	wrdreg $0xFFFFFFFF  }
0xad: {  	s28 =	simm.s32 $_size_execute0_lowered;
	s5 =	sadd.s32 s5, s7;
	[dreg:$0x0] =	wrdreg $0x0  }
0xae: {  	s7 =	sshll.u32 s28, $0x1;
	[dreg:$0x2] =	wrdreg s5  }
0xaf: {  	[dreg:$0x3] =	wrdreg s7  }
0xb0: {  	[dreg:$0x4] =	wrdreg $0xC0  }
0xb1: {  	_ =	task [dreg:s9], $0x5FFFF  }
0xb2: {  	[dreg:$0x1] =	wrdreg $0xFFFFFFFF  }
0xb3: {  	[dreg:$0x0] =	wrdreg $0x60  }
0xb4: {  	[dreg:$0x2] =	wrdreg s16  }
0xb5: {  	[dreg:$0x3] =	wrdreg s15  }
0xb6: {  	[dreg:$0x4] =	wrdreg s24  }
0xb7: {  	[dreg:$0x5] =	wrdreg s17  }
0xb8: {  	[dreg:$0x6] =	wrdreg $0x9  }
0xb9: {  	_ =	task.clear_ibuf [dreg:s9], $0x7FFFF;
	_ =	strace $0x90000046  }
0xba: {  	s29 =	simm.s32 $0x9;
	_ =	strace $0x80000048  }
0xbb: {  	_ =	swait.ge [sflag:s29], $0x1  }
0xbc: {  	[sflag:s29] =	ssyncadd.s32 $0xFFFFFFFF  }
0xbd: {  	_ =	strace $0x90000048  }
0xbe: {  	_ =	sfence  }
0xbf: {  	s30 =	sld [smem:$0x0];
	_ =	sdelay $0x2  }
0xc0: {  	s31 =	sshll.u32 s1, $0xD;
	s1 =	sshrl.u32 s1, $0x2  }
0xc1: {  	s3 =	sand.u32 $0x4000, s31;
	s1 =	sadd.s32 s1, s30  }
0xc2: {  	s0 =	sor.u32 s3, s0;
	s1 =	sshll.u32 s1, $0x11  }
0xc3: {  	s0 =	sor.u32 s1, s0  }
0xc4: {  	s0 =	sadd.s32 $0x8F2B, s0  }
0xc5: {  	[sflag:s0] =	ssyncadd.remote.s32 $0x1  }
0xc6: {  	_ =	sfence.sel $0xFFFF  }
0xc7: {  	[dreg:$0x0] =	wrdreg $0xFFFFFFFF;
	(pc) =	sbr.abs _section_cstart, $3  }
0xc8: {  	[dreg:$0x1] =	wrdreg $0xFFFFFFFF  }
0xc9: {  	_ =	task.clear_ibuf [dreg:s9], $0x2FFFF;
	_ =	strace $0x9FFFFFFF  }
0xca: {  	(tm) =	ssettm $0x7FFFFFFF  }
0xcb: {  	_ =	shalt  }
tec
execute0_lowered:
.L_overlay_start_1:
0x0: {  	(tag) =	ssettag $0x1  }
0x1: {  	s0 =	rddreg [dreg:$0x0]  }
0x2: {  	s1 =	rddreg [dreg:$0x1]  }
0x3: {  	s2 =	rddreg [dreg:$0x2];
	s3 =	srdreg.scid  }
0x4: {  	s7 =	stileid.u32;
	s5 =	rddreg [dreg:$0x3]  }
0x5: {  	s11 =	simm.s32 $0x5;
	s12 =	simm.s32 $0x400;
	s18 =	simm.s32 $0x100  }
0x6: {  	s30 =	simm.s32 $0xE00;
	s31 =	simm.s32 $0x1A00;
	s13 =	simm.s32 $0xB00  }
0x7: {  	s14 =	simm.s32 $0x1700;
	s15 =	simm.s32 $0xF00;
	s16 =	simm.s32 $0x1B00  }
0x8: {  	s17 =	simm.s32 $0x1;
	s20 =	simm.s32 $0x9C00;
	s21 =	simm.s32 $0x2  }
0x9: {  	s24 =	simm.s32 $0x0;
	s4 =	sand.u32 $0x1, s3;
	s26 =	sshll.u32 s7, $0x1  }
0xa: {  	s3 =	simm.s32 $0x0;
	s7 =	sshrl.u32 s7, $0x1;
	s6 =	sor.u32 s4, s26  }
0xb: {  	[smem:$0x7FF] =	sst s3;
	s9 =	sshll.u32 s7, $0x10;
	s4 =	ssub.s32 $0x2, s4  }
0xc: {  	s19 =	smul.u32 $0xC0000, s7;
	s8 =	sshll.u32 s6, $0xE;
	_ =	strace $0x80000047  }
0xd: {  	s28 =	sshrl.u32 s4, $0x1;
	s29 =	sshll.u32 s6, $0x7;
	s6 =	smul.u32 $0x180, s6  }
0xe: {  	s8 =	sand.u32 $0xC000, s8;
	s10 =	ssub.s32 s4, s28;
	s4 =	sadd.s32 s0, s29  }
0xf: {  	s22 =	sadd.s32 $0x40000, s19;
	s23 =	sadd.s32 $0x80000, s19;
	s0 =	simm.s32 $0x1300  }
0x10: {  	v0 =	vmov s19;
	s19 =	simm.s32 $0x1C00;
	s8 =	sor.u32 s9, s8;
	s5 =	sadd.s32 s5, s6  }
0x11: {  	s10 =	smax.u32 s10, $0x1;
	v1 =	vmov s22;
	s22 =	simm.s32 $0x3;
	s2 =	sadd.s32 s8, s2  }
0x12: {  	v3 =	vlaneseq.u32;
	v2 =	vmov s23;
	s23 =	simm.s32 $0x4;
	s6 =	sadd.s32 $0x1600, s2;
	s7 =	sadd.s32 $0x2600, s2  }
0x13: {  	v3 =	vmul.u32 $0x80, v3;
	s8 =	sadd.s32 $0x3600, s2;
	s9 =	sadd.s32 $0x4600, s2;
	s2 =	simm.s32 $0x700  }
.LBB2_1:
0x14: {  	[tilespmem:s3], [sflag:$0x5] =	stream.linear.gather [hbm4b:s4+s3], $0x400, $0x38;
	[tilespmem:$0x11C00] =	vst v63  }
0x15: {  	_ =	swait.ge [sflag:s11], $0x400  }
0x16: {  	[sflag:s11] =	ssyncset.done $0x0  }
0x17: {  	[sflag:s11] =	ssyncadd.s32 $0xFFFFFC00  }
0x18: {  	v4 =	vld [tilespmem:s3+$0x0];
	_ =	sdelay $0x4  }
0x19: {  	v5 =	vshll.u32 v4, $0x3  }
0x1a: {  	v6 =	vshrl.u32 v4, $0x2;
	v4 =	vand.u32 $0xFFFFF07F, v4;
	v5 =	vand.u32 $0xC00, v5  }
0x1b: {  	v6 =	vand.u32 $0x380, v6;
	v4 =	vor.u32 v5, v4  }
0x1c: {  	v4 =	vor.u32 v6, v4  }
0x1d: {  	s25 =	simm.s32 $0x10;
	v5 =	vadd.s32 v0, v4  }
0x1e: {  	s29 =	sand.u32 $0xF0, s3;
	s26 =	simm.s32 $0x0;
	s28 =	simm.s32 $0x400;
	[tilespmem:s12+$0x0] =	vst v5;
	v5 =	vadd.s32 v1, v4;
	v4 =	vadd.s32 v2, v4  }
.LBB2_2:
0x1f: {  	p0 =	sne.s32 s25, $0xF0;
	[tilespmem:s29+$0x800] =	vst v5;
	s26 =	sadd.s32 $0x10, s26;
	s28 =	sadd.s32 $0x10, s28  }
0x20: {  	[tilespmem:s29+$0xC00] =	vst v4;
	s29 =	smov.u32 s25;
	s25 =	sadd.s32 $0x10, s25  }
0x21: {  	v4 =	vld [tilespmem:s26+$0x0];
	_ =	sdelay $0x4  }
0x22: {  	v5 =	vshll.u32 v4, $0x3;
	v6 =	vshrl.u32 v4, $0x2  }
.Ltmp0:
0x23: {  	v4 =	vand.u32 $0xFFFFF07F, v4;
	v5 =	vand.u32 $0xC00, v5;
	(pc) =	sbr.rel @p0 .LBB2_2-.Ltmp0, $4  }
0x24: {  	v6 =	vand.u32 $0x380, v6;
	v4 =	vor.u32 v5, v4  }
0x25: {  	v4 =	vor.u32 v6, v4  }
0x26: {  	v5 =	vadd.s32 v0, v4  }
0x27: {  	s29 =	sand.u32 $0xF0, s29;
	[tilespmem:s28+$0x0] =	vst v5;
	v5 =	vadd.s32 v1, v4;
	v4 =	vadd.s32 v2, v4  }
0x28: {  	[tilespmem:s29+$0x800] =	vst v5  }
0x29: {  	[tilespmem:s29+$0xC00] =	vst v4;
	s25 =	simm.s32 $0x100;
	s26 =	simm.s32 $0x1000  }
0x2a: {  	[tilespmem:s26], [sflag:$0x1] =	stream.indirect.gather [hbm4b:s1+s25], $0x1, s12, s25, $0xb8;
	[tilespmem:$0x11C00] =	vst v63  }
0x2b: {  	s28 =	simm.s32 $0x1400;
	s26 =	simm.s32 $0x800  }
0x2c: {  	[tilespmem:s28], [sflag:$0x1] =	stream.indirect.gather [hbm4b:s1+s25], $0x1, s26, s25, $0xb8;
	[tilespmem:$0x11C00] =	vst v63  }
0x2d: {  	s26 =	simm.s32 $0xC00;
	s28 =	simm.s32 $0x1800  }
0x2e: {  	[tilespmem:s28], [sflag:$0x1] =	stream.indirect.gather [hbm4b:s1+s25], $0x1, s26, s25, $0xb8;
	[tilespmem:$0x11C00] =	vst v63  }
0x2f: {  	v4 =	vld [tilespmem:s25+$0x0];
	_ =	sdelay $0x4  }
0x30: {  	v5 =	vshll.u32 v4, $0x3  }
0x31: {  	v6 =	vshrl.u32 v4, $0x2;
	v4 =	vand.u32 $0xFFFFF07F, v4;
	v5 =	vand.u32 $0xC00, v5  }
0x32: {  	v6 =	vand.u32 $0x380, v6;
	v4 =	vor.u32 v5, v4  }
0x33: {  	v4 =	vor.u32 v6, v4  }
0x34: {  	s26 =	simm.s32 $0x500;
	v5 =	vadd.s32 v0, v4  }
0x35: {  	s29 =	sand.u32 $0x1F0, s25;
	s28 =	simm.s32 $0x110;
	[tilespmem:s26+$0x0] =	vst v5;
	v5 =	vadd.s32 v1, v4;
	v4 =	vadd.s32 v2, v4  }
.LBB2_4:
0x36: {  	p0 =	sne.s32 s28, $0x1F0;
	[tilespmem:s29+$0x800] =	vst v5;
	s25 =	sadd.s32 $0x10, s25;
	s26 =	sadd.s32 $0x10, s26  }
0x37: {  	[tilespmem:s29+$0xC00] =	vst v4;
	s29 =	smov.u32 s28;
	s28 =	sadd.s32 $0x10, s28  }
0x38: {  	v4 =	vld [tilespmem:s25+$0x0];
	_ =	sdelay $0x4  }
0x39: {  	v5 =	vshll.u32 v4, $0x3;
	v6 =	vshrl.u32 v4, $0x2  }
.Ltmp1:
0x3a: {  	v4 =	vand.u32 $0xFFFFF07F, v4;
	v5 =	vand.u32 $0xC00, v5;
	(pc) =	sbr.rel @p0 .LBB2_4-.Ltmp1, $4  }
0x3b: {  	v6 =	vand.u32 $0x380, v6;
	v4 =	vor.u32 v5, v4  }
0x3c: {  	v4 =	vor.u32 v6, v4  }
0x3d: {  	v5 =	vadd.s32 v0, v4  }
0x3e: {  	s29 =	sand.u32 $0x1F0, s29;
	[tilespmem:s26+$0x0] =	vst v5;
	v5 =	vadd.s32 v1, v4;
	v4 =	vadd.s32 v2, v4  }
0x3f: {  	[tilespmem:s29+$0x800] =	vst v5  }
0x40: {  	[tilespmem:s29+$0xC00] =	vst v4;
	s25 =	simm.s32 $0x500;
	s26 =	simm.s32 $0x1100  }
0x41: {  	[tilespmem:s26], [sflag:$0x1] =	stream.indirect.gather [hbm4b:s1+s18], $0x1, s25, s18, $0xb8;
	[tilespmem:$0x11C00] =	vst v63  }
0x42: {  	s25 =	simm.s32 $0x900;
	s26 =	simm.s32 $0x1500  }
0x43: {  	[tilespmem:s26], [sflag:$0x1] =	stream.indirect.gather [hbm4b:s1+s18], $0x1, s25, s18, $0xb8;
	[tilespmem:$0x11C00] =	vst v63  }
0x44: {  	s25 =	simm.s32 $0xD00;
	s26 =	simm.s32 $0x1900  }
0x45: {  	[tilespmem:s26], [sflag:$0x1] =	stream.indirect.gather [hbm4b:s1+s18], $0x1, s25, s18, $0xb8;
	[tilespmem:$0x11C00] =	vst v63  }
0x46: {  	s25 =	simm.s32 $0x200  }
0x47: {  	v4 =	vld [tilespmem:s25+$0x0];
	_ =	sdelay $0x4  }
0x48: {  	v5 =	vshll.u32 v4, $0x3  }
0x49: {  	v6 =	vshrl.u32 v4, $0x2;
	v4 =	vand.u32 $0xFFFFF07F, v4;
	v5 =	vand.u32 $0xC00, v5  }
0x4a: {  	v6 =	vand.u32 $0x380, v6;
	v4 =	vor.u32 v5, v4  }
0x4b: {  	v4 =	vor.u32 v6, v4  }
0x4c: {  	s26 =	simm.s32 $0x600;
	v5 =	vadd.s32 v0, v4  }
0x4d: {  	s28 =	simm.s32 $0x210;
	s29 =	sand.u32 $0x3F0, s25;
	[tilespmem:s26+$0x0] =	vst v5;
	v5 =	vadd.s32 v1, v4;
	v4 =	vadd.s32 v2, v4  }
.LBB2_6:
0x4e: {  	p0 =	sne.s32 s28, $0x2F0;
	[tilespmem:s29+$0x800] =	vst v5;
	s25 =	sadd.s32 $0x10, s25;
	s26 =	sadd.s32 $0x10, s26  }
0x4f: {  	[tilespmem:s29+$0xC00] =	vst v4;
	s29 =	smov.u32 s28;
	s28 =	sadd.s32 $0x10, s28  }
0x50: {  	v4 =	vld [tilespmem:s25+$0x0];
	_ =	sdelay $0x4  }
0x51: {  	v5 =	vshll.u32 v4, $0x3;
	v6 =	vshrl.u32 v4, $0x2  }
.Ltmp2:
0x52: {  	v4 =	vand.u32 $0xFFFFF07F, v4;
	v5 =	vand.u32 $0xC00, v5;
	(pc) =	sbr.rel @p0 .LBB2_6-.Ltmp2, $4  }
0x53: {  	v6 =	vand.u32 $0x380, v6;
	v4 =	vor.u32 v5, v4  }
0x54: {  	v4 =	vor.u32 v6, v4  }
0x55: {  	v5 =	vadd.s32 v0, v4  }
0x56: {  	s29 =	sand.u32 $0x3F0, s29;
	[tilespmem:s26+$0x0] =	vst v5;
	v5 =	vadd.s32 v1, v4;
	v4 =	vadd.s32 v2, v4  }
0x57: {  	[tilespmem:s29+$0x800] =	vst v5  }
0x58: {  	[tilespmem:s29+$0xC00] =	vst v4;
	s25 =	simm.s32 $0x600;
	s26 =	simm.s32 $0x1200  }
0x59: {  	[tilespmem:s26], [sflag:$0x1] =	stream.indirect.gather [hbm4b:s1+s18], $0x1, s25, s18, $0xb8;
	[tilespmem:$0x11C00] =	vst v63  }
0x5a: {  	s25 =	simm.s32 $0xA00;
	s26 =	simm.s32 $0x1600  }
0x5b: {  	[tilespmem:s26], [sflag:$0x1] =	stream.indirect.gather [hbm4b:s1+s18], $0x1, s25, s18, $0xb8;
	[tilespmem:$0x11C00] =	vst v63  }
0x5c: {  	s25 =	simm.s32 $0x300  }
0x5d: {  	[tilespmem:s31], [sflag:$0x1] =	stream.indirect.gather [hbm4b:s1+s18], $0x1, s30, s18, $0xb8;
	[tilespmem:$0x11C00] =	vst v63  }
0x5e: {  	v4 =	vld [tilespmem:s25+$0x0];
	_ =	sdelay $0x4  }
0x5f: {  	v5 =	vshll.u32 v4, $0x3  }
0x60: {  	v6 =	vshrl.u32 v4, $0x2;
	v4 =	vand.u32 $0xFFFFF07F, v4;
	v5 =	vand.u32 $0xC00, v5  }
0x61: {  	v6 =	vand.u32 $0x380, v6;
	v4 =	vor.u32 v5, v4  }
0x62: {  	v4 =	vor.u32 v6, v4  }
0x63: {  	s26 =	simm.s32 $0x700;
	v5 =	vadd.s32 v0, v4  }
0x64: {  	s28 =	simm.s32 $0x310;
	s29 =	sand.u32 $0x3F0, s25;
	[tilespmem:s26+$0x0] =	vst v5;
	v5 =	vadd.s32 v1, v4;
	v4 =	vadd.s32 v2, v4  }
.LBB2_8:
0x65: {  	p0 =	sne.s32 s28, $0x3F0;
	[tilespmem:s29+$0x800] =	vst v5;
	s25 =	sadd.s32 $0x10, s25;
	s26 =	sadd.s32 $0x10, s26  }
0x66: {  	[tilespmem:s29+$0xC00] =	vst v4;
	s29 =	smov.u32 s28;
	s28 =	sadd.s32 $0x10, s28  }
0x67: {  	v4 =	vld [tilespmem:s25+$0x0];
	_ =	sdelay $0x4  }
0x68: {  	v5 =	vshll.u32 v4, $0x3;
	v6 =	vshrl.u32 v4, $0x2  }
.Ltmp3:
0x69: {  	v4 =	vand.u32 $0xFFFFF07F, v4;
	v5 =	vand.u32 $0xC00, v5;
	(pc) =	sbr.rel @p0 .LBB2_8-.Ltmp3, $4  }
0x6a: {  	v6 =	vand.u32 $0x380, v6;
	v4 =	vor.u32 v5, v4  }
0x6b: {  	v4 =	vor.u32 v6, v4  }
0x6c: {  	v5 =	vadd.s32 v0, v4  }
0x6d: {  	s29 =	sand.u32 $0x3F0, s29;
	[tilespmem:s26+$0x0] =	vst v5;
	v5 =	vadd.s32 v1, v4;
	v4 =	vadd.s32 v2, v4  }
0x6e: {  	[tilespmem:s29+$0x800] =	vst v5  }
0x6f: {  	[tilespmem:s29+$0xC00] =	vst v4  }
0x70: {  	[tilespmem:s0], [sflag:$0x1] =	stream.indirect.gather [hbm4b:s1+s18], $0x1, s2, s18, $0xb8;
	[tilespmem:$0x11C00] =	vst v63  }
0x71: {  	_ = 	snop  }
0x72: {  	[tilespmem:s14], [sflag:$0x1] =	stream.indirect.gather [hbm4b:s1+s18], $0x1, s13, s18, $0xb8;
	[tilespmem:$0x11C00] =	vst v63  }
0x73: {  	_ = 	snop  }
0x74: {  	[tilespmem:s16], [sflag:$0x1] =	stream.indirect.gather [hbm4b:s1+s18], $0x1, s15, s18, $0xb8;
	[tilespmem:$0x11C00] =	vst v63  }
0x75: {  	s26 =	simm.s32 $0x0  }
0x76: {  	[hbm4b:s5+s26] =	stream.linear.scatter [tilespmem:s12], [sflag:$0x4], $0xC00, $0x38;
	[tilespmem:$0x11C00] =	vst v63  }
0x77: {  	_ =	swait.ge [sflag:s17], $0x100  }
0x78: {  	[sflag:s17] =	ssyncset.done $0x0  }
0x79: {  	[sflag:s17] =	ssyncadd.s32 $0xFFFFFF00  }
0x7a: {  	_ =	swait.ge [sflag:s17], $0x100  }
0x7b: {  	[sflag:s17] =	ssyncset.done $0x0  }
0x7c: {  	[sflag:s17] =	ssyncadd.s32 $0xFFFFFF00  }
0x7d: {  	_ =	swait.ge [sflag:s17], $0x100  }
0x7e: {  	v4 =	vmov s26;
	[sflag:s17] =	ssyncset.done $0x0  }
0x7f: {  	s25 =	simm.s32 $0x1000;
	v4 =	vshll.u32 v4, $0x7;
	[sflag:s17] =	ssyncadd.s32 $0xFFFFFF00  }
0x80: {  	v6 =	vor.u32 v3, v4;
	v5 =	vld [tilespmem:s25+$0x0];
	_ =	sdelay $0x4  }
0x81: {  	s28 =	sand.u32 $0xF0, s26;
	[tilespmem:v6+s19+$0x0] =	vst.idx.msk $0xffff, v5  }
0x82: {  	v5 =	vor.u32 $0x1, v6;
	v4 =	vld [tilespmem:s28+$0x1400];
	_ =	sdelay $0x4  }
0x83: {  	[tilespmem:v5+s19+$0x0] =	vst.idx.msk $0xffff, v4  }
0x84: {  	v5 =	vor.u32 $0x2, v6;
	v4 =	vld [tilespmem:s28+$0x1800];
	_ =	sdelay $0x2  }
0x85: {  	s26 =	simm.s32 $0x10  }
0x86: {  	v6 =	vmov s26;
	s28 =	simm.s32 $0x20  }
.LBB2_10:
0x87: {  	p0 =	sne.s32 s28, $0xF0;
	v6 =	vshll.u32 v6, $0x7;
	[tilespmem:v5+s19+$0x0] =	vst.idx.msk $0xffff, v4;
	s25 =	sadd.s32 $0x10, s25  }
0x88: {  	v4 =	vld [tilespmem:s25+$0x0];
	v5 =	vor.u32 v3, v6;
	_ =	sdelay $0x4  }
0x89: {  	s29 =	sand.u32 $0xF0, s26;
	s26 =	smov.u32 s28;
	[tilespmem:v5+s19+$0x0] =	vst.idx.msk $0xffff, v4  }
0x8a: {  	v6 =	vor.u32 $0x1, v5;
	v4 =	vld [tilespmem:s29+$0x1400];
	_ =	sdelay $0x4  }
0x8b: {  	[tilespmem:v6+s19+$0x0] =	vst.idx.msk $0xffff, v4  }
.Ltmp4:
0x8c: {  	v5 =	vor.u32 $0x2, v5;
	v4 =	vld [tilespmem:s29+$0x1800];
	(pc) =	sbr.rel @p0 .LBB2_10-.Ltmp4, $2  }
0x8d: {  	_ =	sdelay $0x2  }
0x8e: {  	s28 =	sadd.s32 $0x10, s28;
	v6 =	vmov s26  }
0x8f: {  	_ =	sdelay $0x3  }
0x90: {  	v6 =	vshll.u32 v6, $0x7;
	[tilespmem:v5+s19+$0x0] =	vst.idx.msk $0xffff, v4;
	s25 =	sadd.s32 $0x10, s25  }
0x91: {  	v4 =	vld [tilespmem:s25+$0x0];
	v5 =	vor.u32 v3, v6;
	_ =	sdelay $0x4  }
0x92: {  	s26 =	sand.u32 $0xF0, s26;
	[tilespmem:v5+s19+$0x0] =	vst.idx.msk $0xffff, v4  }
0x93: {  	v6 =	vor.u32 $0x1, v5;
	v4 =	vld [tilespmem:s26+$0x1400];
	_ =	sdelay $0x4  }
0x94: {  	[tilespmem:v6+s19+$0x0] =	vst.idx.msk $0xffff, v4  }
0x95: {  	v5 =	vor.u32 $0x2, v5;
	v4 =	vld [tilespmem:s26+$0x1800];
	_ =	sdelay $0x4  }
0x96: {  	s28 =	simm.s32 $0x0;
	[tilespmem:v5+s19+$0x0] =	vst.idx.msk $0xffff, v4  }
0x97: {  	[hbm4b:s6+s28] =	stream.linear.scatter [tilespmem:s19], [sflag:$0x2], $0x8000, $0x38;
	[tilespmem:$0x11C00] =	vst v63  }
0x98: {  	_ =	swait.ge [sflag:s17], $0x100  }
0x99: {  	[sflag:s17] =	ssyncset.done $0x0  }
0x9a: {  	[sflag:s17] =	ssyncadd.s32 $0xFFFFFF00  }
0x9b: {  	_ =	swait.ge [sflag:s17], $0x100  }
0x9c: {  	[sflag:s17] =	ssyncset.done $0x0  }
0x9d: {  	[sflag:s17] =	ssyncadd.s32 $0xFFFFFF00  }
0x9e: {  	_ =	swait.ge [sflag:s17], $0x100  }
0x9f: {  	v4 =	vmov s28;
	[sflag:s17] =	ssyncset.done $0x0  }
0xa0: {  	s29 =	sand.u32 $0xF0, s28;
	v4 =	vshll.u32 v4, $0x7;
	[sflag:s17] =	ssyncadd.s32 $0xFFFFFF00  }
0xa1: {  	v6 =	vor.u32 v3, v4;
	v5 =	vld [tilespmem:s29+$0x1100];
	_ =	sdelay $0x4  }
0xa2: {  	[tilespmem:v6+s20+$0x0] =	vst.idx.msk $0xffff, v5  }
0xa3: {  	v5 =	vor.u32 $0x1, v6;
	v4 =	vld [tilespmem:s29+$0x1500];
	_ =	sdelay $0x4  }
0xa4: {  	[tilespmem:v5+s20+$0x0] =	vst.idx.msk $0xffff, v4  }
0xa5: {  	v5 =	vor.u32 $0x2, v6;
	v4 =	vld [tilespmem:s29+$0x1900];
	_ =	sdelay $0x2  }
0xa6: {  	s25 =	simm.s32 $0x10  }
0xa7: {  	s26 =	simm.s32 $0x20;
	v6 =	vmov s25  }
.LBB2_12:
0xa8: {  	p0 =	sne.s32 s26, $0xF0;
	v6 =	vshll.u32 v6, $0x7;
	s28 =	sand.u32 $0xF0, s25;
	[tilespmem:v5+s20+$0x0] =	vst.idx.msk $0xffff, v4;
	s25 =	smov.u32 s26  }
0xa9: {  	v4 =	vld [tilespmem:s28+$0x1100];
	v5 =	vor.u32 v3, v6;
	_ =	sdelay $0x4  }
0xaa: {  	[tilespmem:v5+s20+$0x0] =	vst.idx.msk $0xffff, v4  }
0xab: {  	v6 =	vor.u32 $0x1, v5;
	v4 =	vld [tilespmem:s28+$0x1500];
	_ =	sdelay $0x4  }
0xac: {  	[tilespmem:v6+s20+$0x0] =	vst.idx.msk $0xffff, v4  }
.Ltmp5:
0xad: {  	v5 =	vor.u32 $0x2, v5;
	v4 =	vld [tilespmem:s28+$0x1900];
	(pc) =	sbr.rel @p0 .LBB2_12-.Ltmp5, $2  }
0xae: {  	_ =	sdelay $0x2  }
0xaf: {  	s26 =	sadd.s32 $0x10, s26;
	v6 =	vmov s25  }
0xb0: {  	_ =	sdelay $0x3  }
0xb1: {  	v6 =	vshll.u32 v6, $0x7;
	s25 =	sand.u32 $0xF0, s25;
	[tilespmem:v5+s20+$0x0] =	vst.idx.msk $0xffff, v4  }
0xb2: {  	v4 =	vld [tilespmem:s25+$0x1100];
	v5 =	vor.u32 v3, v6;
	_ =	sdelay $0x4  }
0xb3: {  	[tilespmem:v5+s20+$0x0] =	vst.idx.msk $0xffff, v4  }
0xb4: {  	v6 =	vor.u32 $0x1, v5;
	v4 =	vld [tilespmem:s25+$0x1500];
	_ =	sdelay $0x4  }
0xb5: {  	[tilespmem:v6+s20+$0x0] =	vst.idx.msk $0xffff, v4  }
0xb6: {  	v5 =	vor.u32 $0x2, v5;
	v4 =	vld [tilespmem:s25+$0x1900];
	_ =	sdelay $0x4  }
0xb7: {  	s29 =	simm.s32 $0x0;
	[tilespmem:v5+s20+$0x0] =	vst.idx.msk $0xffff, v4  }
0xb8: {  	[hbm4b:s7+s29] =	stream.linear.scatter [tilespmem:s20], [sflag:$0x3], $0x8000, $0x38;
	[tilespmem:$0x11C00] =	vst v63  }
0xb9: {  	_ =	swait.ge [sflag:s21], $0x8000  }
0xba: {  	[sflag:s21] =	ssyncset.done $0x0  }
0xbb: {  	[sflag:s21] =	ssyncadd.s32 $0xFFFF8000  }
0xbc: {  	_ =	swait.ge [sflag:s17], $0x100  }
0xbd: {  	[sflag:s17] =	ssyncset.done $0x0  }
0xbe: {  	[sflag:s17] =	ssyncadd.s32 $0xFFFFFF00  }
0xbf: {  	_ =	swait.ge [sflag:s17], $0x100  }
0xc0: {  	[sflag:s17] =	ssyncset.done $0x0  }
0xc1: {  	[sflag:s17] =	ssyncadd.s32 $0xFFFFFF00  }
0xc2: {  	_ =	swait.ge [sflag:s17], $0x100  }
0xc3: {  	v4 =	vmov s29;
	[sflag:s17] =	ssyncset.done $0x0  }
0xc4: {  	s26 =	sand.u32 $0xF0, s29;
	v4 =	vshll.u32 v4, $0x7;
	[sflag:s17] =	ssyncadd.s32 $0xFFFFFF00  }
0xc5: {  	v6 =	vor.u32 v3, v4;
	v5 =	vld [tilespmem:s26+$0x1200];
	_ =	sdelay $0x4  }
0xc6: {  	[tilespmem:v6+s19+$0x0] =	vst.idx.msk $0xffff, v5  }
0xc7: {  	v5 =	vor.u32 $0x1, v6;
	v4 =	vld [tilespmem:s26+$0x1600];
	_ =	sdelay $0x4  }
0xc8: {  	[tilespmem:v5+s19+$0x0] =	vst.idx.msk $0xffff, v4  }
0xc9: {  	v5 =	vor.u32 $0x2, v6;
	v4 =	vld [tilespmem:s26+$0x1A00];
	_ =	sdelay $0x2  }
0xca: {  	s25 =	simm.s32 $0x10  }
0xcb: {  	v6 =	vmov s25;
	s26 =	simm.s32 $0x20  }
.LBB2_14:
0xcc: {  	p0 =	sne.s32 s26, $0xF0;
	v6 =	vshll.u32 v6, $0x7;
	s28 =	sand.u32 $0xF0, s25;
	[tilespmem:v5+s19+$0x0] =	vst.idx.msk $0xffff, v4;
	s25 =	smov.u32 s26  }
0xcd: {  	v4 =	vld [tilespmem:s28+$0x1200];
	v5 =	vor.u32 v3, v6;
	_ =	sdelay $0x4  }
0xce: {  	[tilespmem:v5+s19+$0x0] =	vst.idx.msk $0xffff, v4  }
0xcf: {  	v6 =	vor.u32 $0x1, v5;
	v4 =	vld [tilespmem:s28+$0x1600];
	_ =	sdelay $0x4  }
0xd0: {  	[tilespmem:v6+s19+$0x0] =	vst.idx.msk $0xffff, v4  }
.Ltmp6:
0xd1: {  	v5 =	vor.u32 $0x2, v5;
	v4 =	vld [tilespmem:s28+$0x1A00];
	(pc) =	sbr.rel @p0 .LBB2_14-.Ltmp6, $2  }
0xd2: {  	_ =	sdelay $0x2  }
0xd3: {  	s26 =	sadd.s32 $0x10, s26;
	v6 =	vmov s25  }
0xd4: {  	_ =	sdelay $0x3  }
0xd5: {  	v6 =	vshll.u32 v6, $0x7;
	s25 =	sand.u32 $0xF0, s25;
	[tilespmem:v5+s19+$0x0] =	vst.idx.msk $0xffff, v4  }
0xd6: {  	v4 =	vld [tilespmem:s25+$0x1200];
	v5 =	vor.u32 v3, v6;
	_ =	sdelay $0x4  }
0xd7: {  	[tilespmem:v5+s19+$0x0] =	vst.idx.msk $0xffff, v4  }
0xd8: {  	v6 =	vor.u32 $0x1, v5;
	v4 =	vld [tilespmem:s25+$0x1600];
	_ =	sdelay $0x4  }
0xd9: {  	[tilespmem:v6+s19+$0x0] =	vst.idx.msk $0xffff, v4  }
0xda: {  	v5 =	vor.u32 $0x2, v5;
	v4 =	vld [tilespmem:s25+$0x1A00];
	_ =	sdelay $0x4  }
0xdb: {  	s29 =	simm.s32 $0x0;
	[tilespmem:v5+s19+$0x0] =	vst.idx.msk $0xffff, v4  }
0xdc: {  	[hbm4b:s8+s29] =	stream.linear.scatter [tilespmem:s19], [sflag:$0x2], $0x8000, $0x38;
	[tilespmem:$0x11C00] =	vst v63  }
0xdd: {  	_ =	swait.ge [sflag:s22], $0x8000  }
0xde: {  	[sflag:s22] =	ssyncset.done $0x0  }
0xdf: {  	[sflag:s22] =	ssyncadd.s32 $0xFFFF8000  }
0xe0: {  	_ =	swait.ge [sflag:s17], $0x100  }
0xe1: {  	[sflag:s17] =	ssyncset.done $0x0  }
0xe2: {  	[sflag:s17] =	ssyncadd.s32 $0xFFFFFF00  }
0xe3: {  	_ =	swait.ge [sflag:s17], $0x100  }
0xe4: {  	[sflag:s17] =	ssyncset.done $0x0  }
0xe5: {  	[sflag:s17] =	ssyncadd.s32 $0xFFFFFF00  }
0xe6: {  	_ =	swait.ge [sflag:s17], $0x100  }
0xe7: {  	v4 =	vmov s29;
	[sflag:s17] =	ssyncset.done $0x0  }
0xe8: {  	s26 =	sand.u32 $0xF0, s29;
	v4 =	vshll.u32 v4, $0x7;
	[sflag:s17] =	ssyncadd.s32 $0xFFFFFF00  }
0xe9: {  	v6 =	vor.u32 v3, v4;
	v5 =	vld [tilespmem:s26+$0x1300];
	_ =	sdelay $0x4  }
0xea: {  	[tilespmem:v6+s20+$0x0] =	vst.idx.msk $0xffff, v5  }
0xeb: {  	v5 =	vor.u32 $0x1, v6;
	v4 =	vld [tilespmem:s26+$0x1700];
	_ =	sdelay $0x4  }
0xec: {  	[tilespmem:v5+s20+$0x0] =	vst.idx.msk $0xffff, v4  }
0xed: {  	v5 =	vor.u32 $0x2, v6;
	v4 =	vld [tilespmem:s26+$0x1B00];
	_ =	sdelay $0x2  }
0xee: {  	s25 =	simm.s32 $0x10  }
0xef: {  	v6 =	vmov s25;
	s26 =	simm.s32 $0x20  }
.LBB2_16:
0xf0: {  	p0 =	sne.s32 s26, $0xF0;
	v6 =	vshll.u32 v6, $0x7;
	s28 =	sand.u32 $0xF0, s25;
	[tilespmem:v5+s20+$0x0] =	vst.idx.msk $0xffff, v4;
	s25 =	smov.u32 s26  }
0xf1: {  	v4 =	vld [tilespmem:s28+$0x1300];
	v5 =	vor.u32 v3, v6;
	_ =	sdelay $0x4  }
0xf2: {  	[tilespmem:v5+s20+$0x0] =	vst.idx.msk $0xffff, v4  }
0xf3: {  	v6 =	vor.u32 $0x1, v5;
	v4 =	vld [tilespmem:s28+$0x1700];
	_ =	sdelay $0x4  }
0xf4: {  	[tilespmem:v6+s20+$0x0] =	vst.idx.msk $0xffff, v4  }
.Ltmp7:
0xf5: {  	v5 =	vor.u32 $0x2, v5;
	v4 =	vld [tilespmem:s28+$0x1B00];
	(pc) =	sbr.rel @p0 .LBB2_16-.Ltmp7, $2  }
0xf6: {  	_ =	sdelay $0x2  }
0xf7: {  	s26 =	sadd.s32 $0x10, s26;
	v6 =	vmov s25  }
0xf8: {  	_ =	sdelay $0x3  }
0xf9: {  	v6 =	vshll.u32 v6, $0x7;
	s25 =	sand.u32 $0xF0, s25;
	[tilespmem:v5+s20+$0x0] =	vst.idx.msk $0xffff, v4  }
0xfa: {  	v4 =	vld [tilespmem:s25+$0x1300];
	v5 =	vor.u32 v3, v6;
	_ =	sdelay $0x4  }
0xfb: {  	[tilespmem:v5+s20+$0x0] =	vst.idx.msk $0xffff, v4  }
0xfc: {  	v6 =	vor.u32 $0x1, v5;
	v4 =	vld [tilespmem:s25+$0x1700];
	_ =	sdelay $0x4  }
0xfd: {  	[tilespmem:v6+s20+$0x0] =	vst.idx.msk $0xffff, v4  }
0xfe: {  	v5 =	vor.u32 $0x2, v5;
	v4 =	vld [tilespmem:s25+$0x1B00];
	_ =	sdelay $0x4  }
0xff: {  	[tilespmem:v5+s20+$0x0] =	vst.idx.msk $0xffff, v4  }
0x100: {  	[hbm4b:s9+s3] =	stream.linear.scatter [tilespmem:s20], [sflag:$0x3], $0x8000, $0x38;
	[tilespmem:$0x11C00] =	vst v63  }
0x101: {  	_ =	swait.ge [sflag:s21], $0x8000  }
0x102: {  	[sflag:s21] =	ssyncset.done $0x0  }
0x103: {  	s24 =	sadd.s32 $0x1, s24;
	[sflag:s21] =	ssyncadd.s32 $0xFFFF8000  }
0x104: {  	p0 =	sne.s32 s24, s10;
	_ =	swait.ge [sflag:s22], $0x8000  }
.Ltmp8:
0x105: {  	[sflag:s22] =	ssyncset.done $0x0;
	(pc) =	sbr.rel @p0 .LBB2_1-.Ltmp8, $4  }
0x106: {  	[sflag:s22] =	ssyncadd.s32 $0xFFFF8000  }
0x107: {  	_ =	swait.ge [sflag:s23], $0xC00  }
0x108: {  	[sflag:s23] =	ssyncset.done $0x0  }
0x109: {  	[sflag:s23] =	ssyncadd.s32 $0xFFFFF400  }
0x10a: {  	_ =	sfence.sel $0x180000  }
0x10b: {  	[bflag:$0x0] =	sbarrier.arrive $0xFFFF  }
0x10c: {  	_ =	strace $0x90000047  }
0x10d: {  	s0 =	stileid.u32;
	[bflag:$0x2] =	sbarrier.arrive $0xFFFF  }
0x10e: {  	p0 =	sne.s32 s0, $0x0;
	s0 =	rddreg [dreg:$0x4]  }
0x10f: {  	s0 =	sadd.s32 @!p0 $0x100000, s0  }
0x110: {  	[sflag:s0] =	ssyncadd.tile.s32 @!p0 $0x1;
	_ =	shalt  }
.Lfunc_end2:
_tile_overlayer_lowered:
.L_overlay_start_2:
0x111: {  	(tag) =	ssettag $0x2  }
0x112: {  	s0 =	rddreg [dreg:$0x0];
	s2 =	stileid.u32  }
0x113: {  	s1 =	rddreg [dreg:$0x1];
	p0 =	sne.s32 s2, $0x0  }
0x114: {  	s3 =	rddreg [dreg:$0x2];
	[bflag:$0x3] =	sbarrier.arrive $0xFFFF;
	s2 =	simm.s32 @!p0 $0x1C05  }
0x115: {  	[timem:s3], [sflag:s2] =	dma.local @!p0 [hbm:s0], s1  }
0x116: {  	s0 =	simm.s32 @!p0 $0x5  }
0x117: {  	_ =	swait.ge @!p0 [sflag:s0], s1  }
0x118: {  	s1 =	ssub.s32 @!p0 $0x0, s1;
	[sflag:s0] =	ssyncset.done @!p0 $0x0  }
0x119: {  	[sflag:s0] =	ssyncadd.s32 @!p0 s1  }
0x11a: {  	[bflag:$0x3] =	sbarrier.arrive $0xFFFF  }
0x11b: {  	_ =	shalt  }

// kernel: kernel.7.cloned.1.call-start
scs
__scs_entry_jumppad:
0x0: {  	(pc) =	sbr.rel $0x88, $3  }
0x1: {  	(tag) =	ssettag $0x0;
	lr =	simm.s32 $0x1  }
0x2: {  	[smem:$0x3F9E] =	sst lr;
	_ =	strace $0xD0000000  }
0x3: {  	_ = 	snop  }
0x4: {  	_ = 	snop  }
0x5: {  	_ = 	snop  }
0x6: {  	_ = 	snop  }
0x7: {  	_ = 	snop  }
__scs_overlays_trampoline_lowered:
0x8: {  	[smem:$0x3FAD] =	sst s0  }
0x9: {  	[smem:$0x3FAE] =	sst s1  }
0xa: {  	[smem:$0x3FAF] =	sst s2  }
0xb: {  	[smem:$0x3FB0] =	sst s3  }
0xc: {  	[smem:$0x3FB1] =	sst s4  }
0xd: {  	[smem:$0x3FB2] =	sst s5  }
0xe: {  	[smem:$0x3FB3] =	sst s6  }
0xf: {  	[smem:$0x3FB4] =	sst s7  }
0x10: {  	[smem:$0x3FB5] =	sst s8  }
0x11: {  	[smem:$0x3FB6] =	sst s9;
	s0 =	simm.s32 @!p0 $0x0  }
0x12: {  	s1 =	sld [smem:$0x3F9C];
	s0 =	simm.s32 @p0 $0x1  }
0x13: {  	[smem:$0x3FB7] =	sst s0;
	s0 =	simm.s32 @!p1 $0x0  }
0x14: {  	s2 =	sld [smem:$0x3F9B];
	s0 =	simm.s32 @p1 $0x1  }
0x15: {  	[smem:$0x3FB8] =	sst s0;
	s0 =	simm.s32 @!p2 $0x0  }
0x16: {  	s3 =	sld [smem:$0x3FDB];
	s0 =	simm.s32 @p2 $0x1  }
0x17: {  	s4 =	simm.s32 $0x1BF5;
	[smem:$0x3FBA] =	sst s0  }
0x18: {  	s0 =	sld [smem:$0x3F9D];
	_ =	swait.ge [sflag:s4], $0x0  }
0x19: {  	s7 =	sld [smem:$0x3F9E]  }
0x1a: {  	s8 =	sadd.s32 $0xFFFFE003, lr  }
0x1b: {  	s9 =	sadd.s32 $0xFFFFFEF7, lr;
	s5 =	simm.s32 $0xFFFFFFFF;
	p2 =	slt.u32 s8, $0xFFFFF086  }
0x1c: {  	p1 =	slt.u32 s9, $0xF7A;
	s5 =	simm.s32 @!p2 $0x0  }
0x1d: {  	s5 =	simm.s32 @p1 $0x1;
	p0 =	seq.s32 s7, s2  }
0x1e: {  	s7 =	smul.u32 @!p0 $0xF7A, s2;
	p2 =	seq.s32 @!p0 s5, $0x0  }
0x1f: {  	s9 =	smul.u32 $0xF7A, s1;
	s8 =	simm.s32 @!p0 $0x1BF5;
	p2 =	por !p2, p0  }
0x20: {  	[sflag:s8] =	ssyncset.s32 @!p0 $0xFFFFF086;
	s6 =	sadd.s32 @!p0 s3, s7;
	s7 =	simm.s32 @!p0 $0x108  }
0x21: {  	s3 =	sadd.s32 s3, s9;
	s6 =	sadd.s32 @!p0 $0x88, s6;
	s7 =	simm.s32 @p2 $0x1082  }
0x22: {  	[simem:s7], [sflag:s8] =	dma.local @!p0 [hbm:s6], $0xF7A  }
0x23: {  	s9 =	sor.u32 $0xD0000000, s2;
	s6 =	simm.s32 $0x108;
	_ =	swait.ge @!p0 [sflag:s8], $0x0  }
0x24: {  	s3 =	sadd.s32 $0x88, s3;
	s6 =	simm.s32 @!p1 $0x1082;
	[sflag:s4] =	ssyncset.s32 $0xFFFFF086  }
0x25: {  	[simem:s6], [sflag:s4] =	dma.local [hbm:s3], $0xF7A  }
0x26: {  	[smem:$0x3F9E] =	sst s1;
	(tag) =	ssettag s2;
	_ =	strace s9  }
0x27: {  	s1 =	sld [smem:$0x3FAE]  }
0x28: {  	s2 =	sld [smem:$0x3FAF]  }
0x29: {  	s4 =	sld [smem:$0x3FB1]  }
0x2a: {  	p0 =	seq.s32 s5, $0x0;
	s5 =	sld [smem:$0x3FB2]  }
0x2b: {  	s6 =	sld [smem:$0x3FB3]  }
0x2c: {  	s7 =	sld [smem:$0x3FB4]  }
0x2d: {  	s3 =	simm.s32 $0x108;
	s8 =	sld [smem:$0x3FB5]  }
0x2e: {  	s3 =	simm.s32 @!p0 $0x1082;
	s9 =	sld [smem:$0x3FB6]  }
0x2f: {  	lr =	sadd.s32 s0, s3;
	s0 =	sld [smem:$0x3FAD]  }
0x30: {  	s3 =	sld [smem:$0x3FB0]  }
0x31: {  	[smem:$0x3FB9] =	sst s10  }
0x32: {  	s10 =	sld [smem:$0x3FB7];
	_ =	sdelay $0x3  }
0x33: {  	p0 =	seq.s32 s10, $0x1;
	s10 =	sld [smem:$0x3FB9];
	_ =	sdelay $0x3  }
0x34: {  	[smem:$0x3FB9] =	sst s10  }
0x35: {  	s10 =	sld [smem:$0x3FB8];
	_ =	sdelay $0x3  }
0x36: {  	p1 =	seq.s32 s10, $0x1;
	s10 =	sld [smem:$0x3FB9];
	_ =	sdelay $0x3  }
0x37: {  	[smem:$0x3FB9] =	sst s10  }
0x38: {  	s10 =	sld [smem:$0x3FBA]  }
0x39: {  	_ = 	snop;
	(pc) =	sbr.ind lr, $3  }
0x3a: {  	_ = 	snop  }
0x3b: {  	_ = 	snop  }
0x3c: {  	p2 =	seq.s32 s10, $0x1;
	s10 =	sld [smem:$0x3FB9]  }
0x3d: {  	_ =	shalt  }
0x3e: {  	_ =	shalt  }
0x3f: {  	_ =	shalt  }
0x40: {  	_ =	shalt  }
0x41: {  	_ =	shalt  }
0x42: {  	_ =	shalt  }
0x43: {  	_ =	shalt  }
0x44: {  	_ =	shalt  }
0x45: {  	_ =	shalt  }
0x46: {  	_ =	shalt  }
0x47: {  	_ =	shalt  }
0x48: {  	_ =	shalt  }
0x49: {  	_ =	shalt  }
0x4a: {  	_ =	shalt  }
0x4b: {  	_ =	shalt  }
0x4c: {  	_ =	shalt  }
0x4d: {  	_ =	shalt  }
0x4e: {  	_ =	shalt  }
0x4f: {  	_ =	shalt  }
0x50: {  	_ =	shalt  }
0x51: {  	_ =	shalt  }
0x52: {  	_ =	shalt  }
0x53: {  	_ =	shalt  }
0x54: {  	_ =	shalt  }
0x55: {  	_ =	shalt  }
0x56: {  	_ =	shalt  }
0x57: {  	_ =	shalt  }
0x58: {  	_ =	shalt  }
0x59: {  	_ =	shalt  }
0x5a: {  	_ =	shalt  }
0x5b: {  	_ =	shalt  }
0x5c: {  	_ =	shalt  }
0x5d: {  	_ =	shalt  }
0x5e: {  	_ =	shalt  }
0x5f: {  	_ =	shalt  }
0x60: {  	_ =	shalt  }
0x61: {  	_ =	shalt  }
0x62: {  	_ =	shalt  }
0x63: {  	_ =	shalt  }
0x64: {  	_ =	shalt  }
0x65: {  	_ =	shalt  }
0x66: {  	_ =	shalt  }
0x67: {  	_ =	shalt  }
0x68: {  	_ =	shalt  }
0x69: {  	_ =	shalt  }
0x6a: {  	_ =	shalt  }
0x6b: {  	_ =	shalt  }
0x6c: {  	_ =	shalt  }
0x6d: {  	_ =	shalt  }
0x6e: {  	_ =	shalt  }
0x6f: {  	_ =	shalt  }
0x70: {  	_ =	shalt  }
0x71: {  	_ =	shalt  }
0x72: {  	_ =	shalt  }
0x73: {  	_ =	shalt  }
0x74: {  	_ =	shalt  }
0x75: {  	_ =	shalt  }
0x76: {  	_ =	shalt  }
0x77: {  	_ =	shalt  }
0x78: {  	_ =	shalt  }
0x79: {  	_ =	shalt  }
0x7a: {  	_ =	shalt  }
0x7b: {  	_ =	shalt  }
0x7c: {  	_ =	shalt  }
0x7d: {  	_ =	shalt  }
0x7e: {  	_ =	shalt  }
0x7f: {  	_ =	shalt  }
0x80: {  	_ =	shalt  }
0x81: {  	_ =	shalt  }
0x82: {  	_ =	shalt  }
0x83: {  	_ =	shalt  }
0x84: {  	_ =	shalt  }
0x85: {  	_ =	shalt  }
0x86: {  	_ =	shalt  }
0x87: {  	_ =	shalt  }
.Lfunc_end0:
.L_simem_size_0:
called_computation.1_lowered:
.L_overlay_start_0:
0x88: {  	s2 =	sld [smem:$0x3FD9]  }
0x89: {  	s3 =	sld [smem:$0x3FFE];
	_ =	sdelay $0x1  }
0x8a: {  	s1 =	srdreg.scid  }
0x8b: {  	s0 =	sand.u32 $0x1, s1  }
0x8c: {  	s14 =	sshll.u32 s0, $0xA;
	s2 =	sadd.s32 s3, s2  }
0x8d: {  	s2 =	sadd.s32 s2, s14  }
0x8e: {  	[smem:$0x3FC5] =	sst s2  }
0x8f: {  	_ = 	snop  }
0x90: {  	s2 =	sld [smem:$0x3FD0];
	_ =	sdelay $0x2  }
0x91: {  	s4 =	simm.s32 $0xA;
	s5 =	simm.s32 $0x10;
	s15 =	sld [smem:$0x3FC7]  }
0x92: {  	[smem:s5], [sflag:s4] =	dma.local [hbm:s2], $0x1  }
0x93: {  	_ =	swait.eq [sflag:s4], $0x1  }
0x94: {  	[sflag:s4] =	ssyncset.done $0x0  }
0x95: {  	[sflag:s4] =	ssyncadd.s32 $0xFFFFFFFF  }
0x96: {  	s16 =	sld [smem:$0x13];
	(tm) =	ssettm $0x1  }
0x97: {  	s17 =	sld [smem:$0x3FFB];
	_ =	sdelay $0x3  }
0x98: {  	_ =	strace s17  }
0x99: {  	s4 =	sld [smem:$0x3FFC];
	_ =	sdelay $0x3  }
0x9a: {  	_ =	strace s4  }
0x9b: {  	s4 =	sld [smem:$0x3FFD];
	_ =	sdelay $0x3  }
0x9c: {  	_ =	strace s4  }
0x9d: {  	_ =	strace $0x8FFFFFFF  }
0x9e: {  	s18 =	sld [smem:$0x3FDB];
	_ =	sdelay $0x1  }
0x9f: {  	s19 =	simm.s32 $_scs_section_size  }
0xa0: {  	s6 =	simm.s32 $_size__tile_overlayer_lowered;
	s7 =	simm.s32 $_tile_overlayer_lowered  }
0xa1: {  	s22 =	simm.s32 $0x1BFF;
	s21 =	sshll.u32 s7, $0x1;
	s4 =	sadd.s32 s19, s18  }
0xa2: {  	s8 =	simm.s32 $0x0;
	s20 =	sshll.u32 s6, $0x1;
	s6 =	sadd.s32 s21, s4  }
0xa3: {  	[timem:s8], [sflag:s22] =	dma.local [hbm:s6], s20  }
0xa4: {  	_ =	swait.ge [sflag:s22], s20  }
0xa5: {  	s5 =	ssub.s32 $0x0, s20;
	[sflag:s22] =	ssyncset.done $0x0  }
0xa6: {  	[sflag:s22] =	ssyncadd.s32 s5;
	_ =	sdelay $0x1  }
0xa7: {  	s23 =	simm.s32 $0x1B8B  }
0xa8: {  	_ =	swait.ge [sflag:s23], $0x1  }
0xa9: {  	[sflag:s23] =	ssyncset.done $0x0  }
0xaa: {  	s25 =	simm.s32 $0x1B8E;
	s24 =	sld [smem:$0x3FFE];
	[sflag:s23] =	ssyncadd.s32 $0xFFFFFFFF  }
0xab: {  	s26 =	simm.s32 $execute0_lowered;
	[smem:$0x3FD2] =	sst s25  }
0xac: {  	s6 =	sshll.u32 s26, $0x1;
	_ =	strace $0x80000049;
	[dreg:$0x1] =	wrdreg $0xFFFFFFFF  }
0xad: {  	s28 =	simm.s32 $_size_execute0_lowered;
	s4 =	sadd.s32 s4, s6;
	[dreg:$0x0] =	wrdreg $0x0  }
0xae: {  	s6 =	sshll.u32 s28, $0x1;
	[dreg:$0x2] =	wrdreg s4  }
0xaf: {  	[dreg:$0x3] =	wrdreg s6  }
0xb0: {  	[dreg:$0x4] =	wrdreg $0xC0  }
0xb1: {  	_ =	task [dreg:s8], $0x5FFFF  }
0xb2: {  	[dreg:$0x1] =	wrdreg $0xFFFFFFFF  }
0xb3: {  	[dreg:$0x0] =	wrdreg $0x60  }
0xb4: {  	[dreg:$0x2] =	wrdreg s16  }
0xb5: {  	[dreg:$0x3] =	wrdreg s15  }
0xb6: {  	[dreg:$0x4] =	wrdreg s24  }
0xb7: {  	[dreg:$0x5] =	wrdreg $0x9  }
0xb8: {  	_ =	task.clear_ibuf [dreg:s8], $0x6FFFF;
	_ =	strace $0x90000049  }
0xb9: {  	s29 =	simm.s32 $0x9;
	_ =	strace $0x8000004B  }
0xba: {  	_ =	swait.ge [sflag:s29], $0x1  }
0xbb: {  	[sflag:s29] =	ssyncadd.s32 $0xFFFFFFFF  }
0xbc: {  	_ =	strace $0x9000004B  }
0xbd: {  	_ =	sfence  }
0xbe: {  	s30 =	sld [smem:$0x0];
	_ =	sdelay $0x2  }
0xbf: {  	s31 =	sshll.u32 s1, $0xD;
	s1 =	sshrl.u32 s1, $0x2  }
0xc0: {  	s3 =	sand.u32 $0x4000, s31;
	s1 =	sadd.s32 s1, s30  }
0xc1: {  	s0 =	sor.u32 s3, s0;
	s1 =	sshll.u32 s1, $0x11  }
0xc2: {  	s0 =	sor.u32 s1, s0  }
0xc3: {  	s0 =	sadd.s32 $0x8F2B, s0  }
0xc4: {  	[sflag:s0] =	ssyncadd.remote.s32 $0x1  }
0xc5: {  	_ =	sfence.sel $0xFFFF  }
0xc6: {  	[dreg:$0x0] =	wrdreg $0xFFFFFFFF;
	(pc) =	sbr.abs _section_cstart, $3  }
0xc7: {  	[dreg:$0x1] =	wrdreg $0xFFFFFFFF  }
0xc8: {  	_ =	task.clear_ibuf [dreg:s8], $0x2FFFF;
	_ =	strace $0x9FFFFFFF  }
0xc9: {  	(tm) =	ssettm $0x7FFFFFFF  }
tec
execute0_lowered:
.L_overlay_start_1:
0x0: {  	(tag) =	ssettag $0x1  }
0x1: {  	s0 =	rddreg [dreg:$0x0]  }
0x2: {  	s2 =	rddreg [dreg:$0x1]  }
0x3: {  	s1 =	srdreg.scid;
	s7 =	stileid.u32  }
0x4: {  	s4 =	rddreg [dreg:$0x2];
	s10 =	simm.s32 $0x4;
	s11 =	simm.s32 $0x100  }
0x5: {  	s22 =	simm.s32 $0xE00;
	s23 =	simm.s32 $0x600;
	s24 =	simm.s32 $0x1200  }
0x6: {  	s25 =	simm.s32 $0xA00;
	s28 =	simm.s32 $0x300;
	s29 =	simm.s32 $0xF00  }
0x7: {  	s30 =	simm.s32 $0x700;
	s31 =	simm.s32 $0x1300;
	s12 =	simm.s32 $0x1  }
0x8: {  	s13 =	simm.s32 $0x1800;
	s14 =	simm.s32 $0x9800;
	s15 =	simm.s32 $0x2  }
0x9: {  	s16 =	simm.s32 $0x3;
	s1 =	sand.u32 $0x1, s1;
	s3 =	sshll.u32 s7, $0x1  }
0xa: {  	s17 =	simm.s32 $0x0;
	s7 =	sshll.u32 s7, $0xF;
	s5 =	sor.u32 s1, s3  }
0xb: {  	s3 =	simm.s32 $0x0;
	s7 =	sand.u32 $0x70000, s7;
	s1 =	ssub.s32 $0x2, s1  }
0xc: {  	s6 =	sshll.u32 s5, $0xE;
	[smem:$0x7FF] =	sst s3;
	s5 =	smul.u32 $0x180, s5  }
0xd: {  	s26 =	sshrl.u32 s1, $0x1;
	s6 =	sand.u32 $0xC000, s6;
	_ =	strace $0x8000004A  }
0xe: {  	s1 =	ssub.s32 s1, s26;
	s26 =	simm.s32 $0x1600;
	s6 =	sor.u32 s7, s6  }
0xf: {  	s9 =	smax.u32 s1, $0x1;
	s1 =	simm.s32 $0xB00;
	s8 =	sadd.s32 s6, s4  }
0x10: {  	v0 =	vlaneseq.u32;
	s4 =	sadd.s32 s0, s5;
	s0 =	simm.s32 $0x1700;
	s5 =	sadd.s32 $0x81600, s8  }
0x11: {  	v0 =	vmul.u32 $0x80, v0;
	s6 =	sadd.s32 $0x82600, s8;
	s7 =	sadd.s32 $0x83600, s8;
	s8 =	sadd.s32 $0x84600, s8  }
.LBB2_1:
0x12: {  	[tilespmem:s3], [sflag:$0x4] =	stream.linear.gather [hbm4b:s4+s3], $0xC00, $0x38;
	[tilespmem:$0x11800] =	vst v63  }
0x13: {  	_ =	swait.ge [sflag:s10], $0xC00  }
0x14: {  	[sflag:s10] =	ssyncset.done $0x0  }
0x15: {  	s18 =	simm.s32 $0xC00;
	[sflag:s10] =	ssyncadd.s32 $0xFFFFF400  }
0x16: {  	[tilespmem:s18], [sflag:$0x1] =	stream.indirect.gather [hbm4b:s2+s11], $0x1, s3, s11, $0xb8;
	[tilespmem:$0x11800] =	vst v63  }
0x17: {  	s19 =	simm.s32 $0x400;
	s20 =	simm.s32 $0x1000  }
0x18: {  	[tilespmem:s20], [sflag:$0x1] =	stream.indirect.gather [hbm4b:s2+s11], $0x1, s19, s11, $0xb8;
	[tilespmem:$0x11800] =	vst v63  }
0x19: {  	s21 =	simm.s32 $0x1400;
	s20 =	simm.s32 $0x800  }
0x1a: {  	[tilespmem:s21], [sflag:$0x1] =	stream.indirect.gather [hbm4b:s2+s11], $0x1, s20, s11, $0xb8;
	[tilespmem:$0x11800] =	vst v63  }
0x1b: {  	s21 =	simm.s32 $0xD00  }
0x1c: {  	[tilespmem:s21], [sflag:$0x1] =	stream.indirect.gather [hbm4b:s2+s11], $0x1, s11, s11, $0xb8;
	[tilespmem:$0x11800] =	vst v63  }
0x1d: {  	s20 =	simm.s32 $0x500;
	s21 =	simm.s32 $0x1100  }
0x1e: {  	[tilespmem:s21], [sflag:$0x1] =	stream.indirect.gather [hbm4b:s2+s11], $0x1, s20, s11, $0xb8;
	[tilespmem:$0x11800] =	vst v63  }
0x1f: {  	s20 =	simm.s32 $0x900;
	s21 =	simm.s32 $0x1500  }
0x20: {  	[tilespmem:s21], [sflag:$0x1] =	stream.indirect.gather [hbm4b:s2+s11], $0x1, s20, s11, $0xb8;
	[tilespmem:$0x11800] =	vst v63  }
0x21: {  	s20 =	simm.s32 $0x200  }
0x22: {  	[tilespmem:s22], [sflag:$0x1] =	stream.indirect.gather [hbm4b:s2+s11], $0x1, s20, s11, $0xb8;
	[tilespmem:$0x11800] =	vst v63  }
0x23: {  	_ = 	snop  }
0x24: {  	[tilespmem:s24], [sflag:$0x1] =	stream.indirect.gather [hbm4b:s2+s11], $0x1, s23, s11, $0xb8;
	[tilespmem:$0x11800] =	vst v63  }
0x25: {  	_ = 	snop  }
0x26: {  	[tilespmem:s26], [sflag:$0x1] =	stream.indirect.gather [hbm4b:s2+s11], $0x1, s25, s11, $0xb8;
	[tilespmem:$0x11800] =	vst v63  }
0x27: {  	_ = 	snop  }
0x28: {  	[tilespmem:s29], [sflag:$0x1] =	stream.indirect.gather [hbm4b:s2+s11], $0x1, s28, s11, $0xb8;
	[tilespmem:$0x11800] =	vst v63  }
0x29: {  	_ = 	snop  }
0x2a: {  	[tilespmem:s31], [sflag:$0x1] =	stream.indirect.gather [hbm4b:s2+s11], $0x1, s30, s11, $0xb8;
	[tilespmem:$0x11800] =	vst v63  }
0x2b: {  	_ = 	snop  }
0x2c: {  	[tilespmem:s0], [sflag:$0x1] =	stream.indirect.gather [hbm4b:s2+s11], $0x1, s1, s11, $0xb8;
	[tilespmem:$0x11800] =	vst v63  }
0x2d: {  	_ =	swait.ge [sflag:s12], $0x100  }
0x2e: {  	[sflag:s12] =	ssyncset.done $0x0  }
0x2f: {  	[sflag:s12] =	ssyncadd.s32 $0xFFFFFF00  }
0x30: {  	_ =	swait.ge [sflag:s12], $0x100  }
0x31: {  	[sflag:s12] =	ssyncset.done $0x0  }
0x32: {  	[sflag:s12] =	ssyncadd.s32 $0xFFFFFF00  }
0x33: {  	_ =	swait.ge [sflag:s12], $0x100  }
0x34: {  	v1 =	vmov s3;
	[sflag:s12] =	ssyncset.done $0x0  }
0x35: {  	v1 =	vshll.u32 v1, $0x7;
	[sflag:s12] =	ssyncadd.s32 $0xFFFFFF00  }
0x36: {  	v3 =	vor.u32 v0, v1;
	v2 =	vld [tilespmem:s18+$0x0];
	_ =	sdelay $0x4  }
0x37: {  	s21 =	sand.u32 $0xF0, s3;
	[tilespmem:v3+s13+$0x0] =	vst.idx.msk $0xffff, v2  }
0x38: {  	v2 =	vor.u32 $0x1, v3;
	v1 =	vld [tilespmem:s21+$0x1000];
	_ =	sdelay $0x4  }
0x39: {  	[tilespmem:v2+s13+$0x0] =	vst.idx.msk $0xffff, v1  }
0x3a: {  	v2 =	vor.u32 $0x2, v3;
	v1 =	vld [tilespmem:s21+$0x1400];
	_ =	sdelay $0x2  }
0x3b: {  	s19 =	simm.s32 $0x10  }
0x3c: {  	s20 =	simm.s32 $0x20;
	v3 =	vmov s19  }
.LBB2_2:
0x3d: {  	p0 =	sne.s32 s20, $0xF0;
	v3 =	vshll.u32 v3, $0x7;
	[tilespmem:v2+s13+$0x0] =	vst.idx.msk $0xffff, v1;
	s18 =	sadd.s32 $0x10, s18  }
0x3e: {  	v1 =	vld [tilespmem:s18+$0x0];
	v2 =	vor.u32 v0, v3;
	_ =	sdelay $0x4  }
0x3f: {  	s21 =	sand.u32 $0xF0, s19;
	s19 =	smov.u32 s20;
	[tilespmem:v2+s13+$0x0] =	vst.idx.msk $0xffff, v1  }
0x40: {  	v3 =	vor.u32 $0x1, v2;
	v1 =	vld [tilespmem:s21+$0x1000];
	_ =	sdelay $0x4  }
0x41: {  	[tilespmem:v3+s13+$0x0] =	vst.idx.msk $0xffff, v1  }
.Ltmp0:
0x42: {  	v2 =	vor.u32 $0x2, v2;
	v1 =	vld [tilespmem:s21+$0x1400];
	(pc) =	sbr.rel @p0 .LBB2_2-.Ltmp0, $2  }
0x43: {  	_ =	sdelay $0x2  }
0x44: {  	s20 =	sadd.s32 $0x10, s20;
	v3 =	vmov s19  }
0x45: {  	_ =	sdelay $0x3  }
0x46: {  	v3 =	vshll.u32 v3, $0x7;
	[tilespmem:v2+s13+$0x0] =	vst.idx.msk $0xffff, v1;
	s18 =	sadd.s32 $0x10, s18  }
0x47: {  	v1 =	vld [tilespmem:s18+$0x0];
	v2 =	vor.u32 v0, v3;
	_ =	sdelay $0x4  }
0x48: {  	s19 =	sand.u32 $0xF0, s19;
	[tilespmem:v2+s13+$0x0] =	vst.idx.msk $0xffff, v1  }
0x49: {  	v3 =	vor.u32 $0x1, v2;
	v1 =	vld [tilespmem:s19+$0x1000];
	_ =	sdelay $0x4  }
0x4a: {  	[tilespmem:v3+s13+$0x0] =	vst.idx.msk $0xffff, v1  }
0x4b: {  	v2 =	vor.u32 $0x2, v2;
	v1 =	vld [tilespmem:s19+$0x1400];
	_ =	sdelay $0x4  }
0x4c: {  	s20 =	simm.s32 $0x0;
	[tilespmem:v2+s13+$0x0] =	vst.idx.msk $0xffff, v1  }
0x4d: {  	[hbm4b:s5+s20] =	stream.linear.scatter [tilespmem:s13], [sflag:$0x2], $0x8000, $0x38;
	[tilespmem:$0x11800] =	vst v63  }
0x4e: {  	_ =	swait.ge [sflag:s12], $0x100  }
0x4f: {  	[sflag:s12] =	ssyncset.done $0x0  }
0x50: {  	[sflag:s12] =	ssyncadd.s32 $0xFFFFFF00  }
0x51: {  	_ =	swait.ge [sflag:s12], $0x100  }
0x52: {  	[sflag:s12] =	ssyncset.done $0x0  }
0x53: {  	[sflag:s12] =	ssyncadd.s32 $0xFFFFFF00  }
0x54: {  	_ =	swait.ge [sflag:s12], $0x100  }
0x55: {  	v1 =	vmov s20;
	[sflag:s12] =	ssyncset.done $0x0  }
0x56: {  	s21 =	sand.u32 $0xF0, s20;
	v1 =	vshll.u32 v1, $0x7;
	[sflag:s12] =	ssyncadd.s32 $0xFFFFFF00  }
0x57: {  	v3 =	vor.u32 v0, v1;
	v2 =	vld [tilespmem:s21+$0xD00];
	_ =	sdelay $0x4  }
0x58: {  	[tilespmem:v3+s14+$0x0] =	vst.idx.msk $0xffff, v2  }
0x59: {  	v2 =	vor.u32 $0x1, v3;
	v1 =	vld [tilespmem:s21+$0x1100];
	_ =	sdelay $0x4  }
0x5a: {  	[tilespmem:v2+s14+$0x0] =	vst.idx.msk $0xffff, v1  }
0x5b: {  	v2 =	vor.u32 $0x2, v3;
	v1 =	vld [tilespmem:s21+$0x1500];
	_ =	sdelay $0x2  }
0x5c: {  	s18 =	simm.s32 $0x10  }
0x5d: {  	s19 =	simm.s32 $0x20;
	v3 =	vmov s18  }
.LBB2_4:
0x5e: {  	p0 =	sne.s32 s19, $0xF0;
	v3 =	vshll.u32 v3, $0x7;
	s20 =	sand.u32 $0xF0, s18;
	[tilespmem:v2+s14+$0x0] =	vst.idx.msk $0xffff, v1;
	s18 =	smov.u32 s19  }
0x5f: {  	v1 =	vld [tilespmem:s20+$0xD00];
	v2 =	vor.u32 v0, v3;
	_ =	sdelay $0x4  }
0x60: {  	[tilespmem:v2+s14+$0x0] =	vst.idx.msk $0xffff, v1  }
0x61: {  	v3 =	vor.u32 $0x1, v2;
	v1 =	vld [tilespmem:s20+$0x1100];
	_ =	sdelay $0x4  }
0x62: {  	[tilespmem:v3+s14+$0x0] =	vst.idx.msk $0xffff, v1  }
.Ltmp1:
0x63: {  	v2 =	vor.u32 $0x2, v2;
	v1 =	vld [tilespmem:s20+$0x1500];
	(pc) =	sbr.rel @p0 .LBB2_4-.Ltmp1, $2  }
0x64: {  	_ =	sdelay $0x2  }
0x65: {  	s19 =	sadd.s32 $0x10, s19;
	v3 =	vmov s18  }
0x66: {  	_ =	sdelay $0x3  }
0x67: {  	v3 =	vshll.u32 v3, $0x7;
	s18 =	sand.u32 $0xF0, s18;
	[tilespmem:v2+s14+$0x0] =	vst.idx.msk $0xffff, v1  }
0x68: {  	v1 =	vld [tilespmem:s18+$0xD00];
	v2 =	vor.u32 v0, v3;
	_ =	sdelay $0x4  }
0x69: {  	[tilespmem:v2+s14+$0x0] =	vst.idx.msk $0xffff, v1  }
0x6a: {  	v3 =	vor.u32 $0x1, v2;
	v1 =	vld [tilespmem:s18+$0x1100];
	_ =	sdelay $0x4  }
0x6b: {  	[tilespmem:v3+s14+$0x0] =	vst.idx.msk $0xffff, v1  }
0x6c: {  	v2 =	vor.u32 $0x2, v2;
	v1 =	vld [tilespmem:s18+$0x1500];
	_ =	sdelay $0x4  }
0x6d: {  	s21 =	simm.s32 $0x0;
	[tilespmem:v2+s14+$0x0] =	vst.idx.msk $0xffff, v1  }
0x6e: {  	[hbm4b:s6+s21] =	stream.linear.scatter [tilespmem:s14], [sflag:$0x3], $0x8000, $0x38;
	[tilespmem:$0x11800] =	vst v63  }
0x6f: {  	_ =	swait.ge [sflag:s15], $0x8000  }
0x70: {  	[sflag:s15] =	ssyncset.done $0x0  }
0x71: {  	[sflag:s15] =	ssyncadd.s32 $0xFFFF8000  }
0x72: {  	_ =	swait.ge [sflag:s12], $0x100  }
0x73: {  	[sflag:s12] =	ssyncset.done $0x0  }
0x74: {  	[sflag:s12] =	ssyncadd.s32 $0xFFFFFF00  }
0x75: {  	_ =	swait.ge [sflag:s12], $0x100  }
0x76: {  	[sflag:s12] =	ssyncset.done $0x0  }
0x77: {  	[sflag:s12] =	ssyncadd.s32 $0xFFFFFF00  }
0x78: {  	_ =	swait.ge [sflag:s12], $0x100  }
0x79: {  	v1 =	vmov s21;
	[sflag:s12] =	ssyncset.done $0x0  }
0x7a: {  	s19 =	sand.u32 $0xF0, s21;
	v1 =	vshll.u32 v1, $0x7;
	[sflag:s12] =	ssyncadd.s32 $0xFFFFFF00  }
0x7b: {  	v3 =	vor.u32 v0, v1;
	v2 =	vld [tilespmem:s19+$0xE00];
	_ =	sdelay $0x4  }
0x7c: {  	[tilespmem:v3+s13+$0x0] =	vst.idx.msk $0xffff, v2  }
0x7d: {  	v2 =	vor.u32 $0x1, v3;
	v1 =	vld [tilespmem:s19+$0x1200];
	_ =	sdelay $0x4  }
0x7e: {  	[tilespmem:v2+s13+$0x0] =	vst.idx.msk $0xffff, v1  }
0x7f: {  	v2 =	vor.u32 $0x2, v3;
	v1 =	vld [tilespmem:s19+$0x1600];
	_ =	sdelay $0x2  }
0x80: {  	s18 =	simm.s32 $0x10  }
0x81: {  	v3 =	vmov s18;
	s19 =	simm.s32 $0x20  }
.LBB2_6:
0x82: {  	p0 =	sne.s32 s19, $0xF0;
	v3 =	vshll.u32 v3, $0x7;
	s20 =	sand.u32 $0xF0, s18;
	[tilespmem:v2+s13+$0x0] =	vst.idx.msk $0xffff, v1;
	s18 =	smov.u32 s19  }
0x83: {  	v1 =	vld [tilespmem:s20+$0xE00];
	v2 =	vor.u32 v0, v3;
	_ =	sdelay $0x4  }
0x84: {  	[tilespmem:v2+s13+$0x0] =	vst.idx.msk $0xffff, v1  }
0x85: {  	v3 =	vor.u32 $0x1, v2;
	v1 =	vld [tilespmem:s20+$0x1200];
	_ =	sdelay $0x4  }
0x86: {  	[tilespmem:v3+s13+$0x0] =	vst.idx.msk $0xffff, v1  }
.Ltmp2:
0x87: {  	v2 =	vor.u32 $0x2, v2;
	v1 =	vld [tilespmem:s20+$0x1600];
	(pc) =	sbr.rel @p0 .LBB2_6-.Ltmp2, $2  }
0x88: {  	_ =	sdelay $0x2  }
0x89: {  	s19 =	sadd.s32 $0x10, s19;
	v3 =	vmov s18  }
0x8a: {  	_ =	sdelay $0x3  }
0x8b: {  	v3 =	vshll.u32 v3, $0x7;
	s18 =	sand.u32 $0xF0, s18;
	[tilespmem:v2+s13+$0x0] =	vst.idx.msk $0xffff, v1  }
0x8c: {  	v1 =	vld [tilespmem:s18+$0xE00];
	v2 =	vor.u32 v0, v3;
	_ =	sdelay $0x4  }
0x8d: {  	[tilespmem:v2+s13+$0x0] =	vst.idx.msk $0xffff, v1  }
0x8e: {  	v3 =	vor.u32 $0x1, v2;
	v1 =	vld [tilespmem:s18+$0x1200];
	_ =	sdelay $0x4  }
0x8f: {  	[tilespmem:v3+s13+$0x0] =	vst.idx.msk $0xffff, v1  }
0x90: {  	v2 =	vor.u32 $0x2, v2;
	v1 =	vld [tilespmem:s18+$0x1600];
	_ =	sdelay $0x4  }
0x91: {  	s21 =	simm.s32 $0x0;
	[tilespmem:v2+s13+$0x0] =	vst.idx.msk $0xffff, v1  }
0x92: {  	[hbm4b:s7+s21] =	stream.linear.scatter [tilespmem:s13], [sflag:$0x2], $0x8000, $0x38;
	[tilespmem:$0x11800] =	vst v63  }
0x93: {  	_ =	swait.ge [sflag:s16], $0x8000  }
0x94: {  	[sflag:s16] =	ssyncset.done $0x0  }
0x95: {  	[sflag:s16] =	ssyncadd.s32 $0xFFFF8000  }
0x96: {  	_ =	swait.ge [sflag:s12], $0x100  }
0x97: {  	[sflag:s12] =	ssyncset.done $0x0  }
0x98: {  	[sflag:s12] =	ssyncadd.s32 $0xFFFFFF00  }
0x99: {  	_ =	swait.ge [sflag:s12], $0x100  }
0x9a: {  	[sflag:s12] =	ssyncset.done $0x0  }
0x9b: {  	[sflag:s12] =	ssyncadd.s32 $0xFFFFFF00  }
0x9c: {  	_ =	swait.ge [sflag:s12], $0x100  }
0x9d: {  	v1 =	vmov s21;
	[sflag:s12] =	ssyncset.done $0x0  }
0x9e: {  	s19 =	sand.u32 $0xF0, s21;
	v1 =	vshll.u32 v1, $0x7;
	[sflag:s12] =	ssyncadd.s32 $0xFFFFFF00  }
0x9f: {  	v3 =	vor.u32 v0, v1;
	v2 =	vld [tilespmem:s19+$0xF00];
	_ =	sdelay $0x4  }
0xa0: {  	[tilespmem:v3+s14+$0x0] =	vst.idx.msk $0xffff, v2  }
0xa1: {  	v2 =	vor.u32 $0x1, v3;
	v1 =	vld [tilespmem:s19+$0x1300];
	_ =	sdelay $0x4  }
0xa2: {  	[tilespmem:v2+s14+$0x0] =	vst.idx.msk $0xffff, v1  }
0xa3: {  	v2 =	vor.u32 $0x2, v3;
	v1 =	vld [tilespmem:s19+$0x1700];
	_ =	sdelay $0x2  }
0xa4: {  	s18 =	simm.s32 $0x10  }
0xa5: {  	v3 =	vmov s18;
	s19 =	simm.s32 $0x20  }
.LBB2_8:
0xa6: {  	p0 =	sne.s32 s19, $0xF0;
	v3 =	vshll.u32 v3, $0x7;
	s20 =	sand.u32 $0xF0, s18;
	[tilespmem:v2+s14+$0x0] =	vst.idx.msk $0xffff, v1;
	s18 =	smov.u32 s19  }
0xa7: {  	v1 =	vld [tilespmem:s20+$0xF00];
	v2 =	vor.u32 v0, v3;
	_ =	sdelay $0x4  }
0xa8: {  	[tilespmem:v2+s14+$0x0] =	vst.idx.msk $0xffff, v1  }
0xa9: {  	v3 =	vor.u32 $0x1, v2;
	v1 =	vld [tilespmem:s20+$0x1300];
	_ =	sdelay $0x4  }
0xaa: {  	[tilespmem:v3+s14+$0x0] =	vst.idx.msk $0xffff, v1  }
.Ltmp3:
0xab: {  	v2 =	vor.u32 $0x2, v2;
	v1 =	vld [tilespmem:s20+$0x1700];
	(pc) =	sbr.rel @p0 .LBB2_8-.Ltmp3, $2  }
0xac: {  	_ =	sdelay $0x2  }
0xad: {  	s19 =	sadd.s32 $0x10, s19;
	v3 =	vmov s18  }
0xae: {  	_ =	sdelay $0x3  }
0xaf: {  	v3 =	vshll.u32 v3, $0x7;
	s18 =	sand.u32 $0xF0, s18;
	[tilespmem:v2+s14+$0x0] =	vst.idx.msk $0xffff, v1  }
0xb0: {  	v1 =	vld [tilespmem:s18+$0xF00];
	v2 =	vor.u32 v0, v3;
	_ =	sdelay $0x4  }
0xb1: {  	[tilespmem:v2+s14+$0x0] =	vst.idx.msk $0xffff, v1  }
0xb2: {  	v3 =	vor.u32 $0x1, v2;
	v1 =	vld [tilespmem:s18+$0x1300];
	_ =	sdelay $0x4  }
0xb3: {  	[tilespmem:v3+s14+$0x0] =	vst.idx.msk $0xffff, v1  }
0xb4: {  	v2 =	vor.u32 $0x2, v2;
	v1 =	vld [tilespmem:s18+$0x1700];
	_ =	sdelay $0x4  }
0xb5: {  	s17 =	sadd.s32 $0x1, s17;
	[tilespmem:v2+s14+$0x0] =	vst.idx.msk $0xffff, v1  }
0xb6: {  	[hbm4b:s8+s3] =	stream.linear.scatter [tilespmem:s14], [sflag:$0x3], $0x8000, $0x38;
	[tilespmem:$0x11800] =	vst v63  }
0xb7: {  	p0 =	sne.s32 s17, s9;
	_ =	swait.ge [sflag:s15], $0x8000  }
.Ltmp4:
0xb8: {  	[sflag:s15] =	ssyncset.done $0x0;
	(pc) =	sbr.rel @p0 .LBB2_1-.Ltmp4, $4  }
0xb9: {  	[sflag:s15] =	ssyncadd.s32 $0xFFFF8000  }
0xba: {  	_ =	swait.ge [sflag:s16], $0x8000  }
0xbb: {  	[sflag:s16] =	ssyncset.done $0x0  }
0xbc: {  	[sflag:s16] =	ssyncadd.s32 $0xFFFF8000  }
0xbd: {  	_ =	sfence.sel $0x180000  }
0xbe: {  	[bflag:$0x0] =	sbarrier.arrive $0xFFFF  }
0xbf: {  	_ =	strace $0x9000004A  }
0xc0: {  	s0 =	stileid.u32;
	[bflag:$0x2] =	sbarrier.arrive $0xFFFF  }
0xc1: {  	p0 =	sne.s32 s0, $0x0;
	s0 =	rddreg [dreg:$0x3]  }
0xc2: {  	s0 =	sadd.s32 @!p0 $0x100000, s0  }
0xc3: {  	[sflag:s0] =	ssyncadd.tile.s32 @!p0 $0x1;
	_ =	shalt  }
.Lfunc_end2:
_tile_overlayer_lowered:
.L_overlay_start_2:
0xc4: {  	(tag) =	ssettag $0x2  }
0xc5: {  	s0 =	rddreg [dreg:$0x0];
	s2 =	stileid.u32  }
0xc6: {  	s1 =	rddreg [dreg:$0x1];
	p0 =	sne.s32 s2, $0x0  }
0xc7: {  	s3 =	rddreg [dreg:$0x2];
	[bflag:$0x3] =	sbarrier.arrive $0xFFFF;
	s2 =	simm.s32 @!p0 $0x1C04  }
0xc8: {  	[timem:s3], [sflag:s2] =	dma.local @!p0 [hbm:s0], s1  }
0xc9: {  	s0 =	simm.s32 @!p0 $0x4  }
0xca: {  	_ =	swait.ge @!p0 [sflag:s0], s1  }
0xcb: {  	s1 =	ssub.s32 @!p0 $0x0, s1;
	[sflag:s0] =	ssyncset.done @!p0 $0x0  }
0xcc: {  	[sflag:s0] =	ssyncadd.s32 @!p0 s1  }
0xcd: {  	[bflag:$0x3] =	sbarrier.arrive $0xFFFF  }
0xce: {  	_ =	shalt  }

</sc_bundles>
